<compile_context>
chip_gen: v7x
topology: tpu7x:2x2x1
jax: 0.10.2.dev20260603
libtpu: 0.0.44.dev20260713+nightly
codegen_flags: <defaults>
</compile_context>

<pallas_src>
import functools

import jax
import jax.numpy as jnp
from jax import lax
from jax.experimental import pallas as pl
from jax.experimental.pallas import tpu as pltpu, tpu_sc as plsc

N_NODES = 10000
N_EDGES = 320000
D = 128
G = 50
CUTOFF = 5.0

NC = 2
NS = 16
NW = NC * NS
N_EDGES_H = N_EDGES // 2
EDGES_PER_TILE = N_EDGES_H // NW
CHUNK = 40
N_CHUNKS = EDGES_PER_TILE // CHUNK
N_PAD = 10240
ROWS_PER_TILE = N_PAD // NS

E_BLK = 3200
N_BLK = 2000

_SIN_COEFS = (1.5707963e0, -6.4596409e-1, 7.9692594e-2,
              -4.6816369e-3, 1.6023519e-4, -3.4252394e-6)


def _c_body(r_ref, c_ref):
    r = r_ref[...]
    u = r * (2.0 / CUTOFF) - 1.0
    u2 = u * u
    p = _SIN_COEFS[-1]
    for coef in _SIN_COEFS[-2::-1]:
        p = p * u2 + coef
    cval = 0.5 - 0.5 * (p * u)
    c_ref[...] = jnp.where(r < CUTOFF, cval, 0.0)


def _compute_c(rij_packed):
    return pl.pallas_call(
        _c_body,
        out_shape=jax.ShapeDtypeStruct(rij_packed.shape, jnp.float32),
    )(rij_packed)


def _he_body(fijT_ref, c_ref, wf1_ref, bf1_ref, wf2_ref, bf2_ref, he_ref):
    h1 = lax.dot_general(
        fijT_ref[...], wf1_ref[...],
        dimension_numbers=(((0,), (0,)), ((), ())),
        preferred_element_type=jnp.float32,
    ) + bf1_ref[...]
    sp = jnp.maximum(h1, 0.0) + jnp.log1p(jnp.exp(-jnp.abs(h1))) - 0.6931471805599453
    he = (
        jnp.dot(sp, wf2_ref[...], preferred_element_type=jnp.float32)
        + bf2_ref[...]
    )
    he_ref[...] = he * c_ref[...]


def _compute_he(fijT, c_col, Wf1, bf1, bf2s, Wf2):
    n_blocks = N_EDGES_H // E_BLK
    return pl.pallas_call(
        _he_body,
        grid=(n_blocks,),
        in_specs=[
            pl.BlockSpec((G, E_BLK), lambda i: (0, i)),
            pl.BlockSpec((E_BLK, 1), lambda i: (i, 0)),
            pl.BlockSpec((G, D), lambda i: (0, 0)),
            pl.BlockSpec((1, D), lambda i: (0, 0)),
            pl.BlockSpec((D, D), lambda i: (0, 0)),
            pl.BlockSpec((1, D), lambda i: (0, 0)),
        ],
        out_specs=pl.BlockSpec((E_BLK, D), lambda i: (i, 0)),
        out_shape=jax.ShapeDtypeStruct((N_EDGES_H, D), jnp.float32),
    )(fijT, c_col, Wf1, bf1, Wf2, bf2s)


def _hv_body(feat_ref, w_ref, hv_ref):
    hv_ref[...] = jnp.dot(
        feat_ref[...], w_ref[...], preferred_element_type=jnp.float32
    )


def _compute_hv(feat, W_in2f):
    return pl.pallas_call(
        _hv_body,
        grid=(5,),
        in_specs=[
            pl.BlockSpec((N_NODES // 5, D), lambda i: (i, 0)),
            pl.BlockSpec((D, D), lambda i: (0, 0)),
        ],
        out_specs=pl.BlockSpec((N_NODES // 5, D), lambda i: (i, 0)),
        out_shape=jax.ShapeDtypeStruct((N_NODES, D), jnp.float32),
    )(feat, W_in2f)


def _sc_body(hv_hbm, he_hbm, src_hbm, dst_hbm, zeros_hbm, out_hbm,
             m_sh, src_t, rows_b, he_b, dst_b, slm):
    c = lax.axis_index("c")
    s = lax.axis_index("s")
    wid = s * NC + c
    ebase = wid * EDGES_PER_TILE

    pltpu.sync_copy(zeros_hbm, m_sh.at[pl.ds(s * ROWS_PER_TILE, ROWS_PER_TILE)])
    pltpu.sync_copy(src_hbm.at[pl.ds(ebase, EDGES_PER_TILE)], src_t)
    plsc.subcore_barrier()

    def issue(j, b):
        pltpu.async_copy(
            hv_hbm.at[src_t.at[pl.ds(j * CHUNK, CHUNK)]], rows_b[b], slm[b])
        pltpu.async_copy(
            he_hbm.at[pl.ds(ebase + j * CHUNK, CHUNK)], he_b[b], slm[b])
        pltpu.async_copy(
            dst_hbm.at[pl.ds(ebase + j * CHUNK, CHUNK)], dst_b[b], slm[b])

    def process(j, b):
        pltpu.make_async_copy(
            hv_hbm.at[src_t.at[pl.ds(j * CHUNK, CHUNK)]], rows_b[b], slm[b]).wait()
        pltpu.make_async_copy(
            he_hbm.at[pl.ds(ebase + j * CHUNK, CHUNK)], he_b[b], slm[b]).wait()
        pltpu.make_async_copy(
            dst_hbm.at[pl.ds(ebase + j * CHUNK, CHUNK)], dst_b[b], slm[b]).wait()

        rows, he = rows_b[b], he_b[b]

        def row_body(r, carry):
            for k in range(D // 16):
                sl = pl.ds(k * 16, 16)
                rows[r, sl] = rows[r, sl] * he[r, sl]
            return carry

        lax.fori_loop(0, CHUNK, row_body, 0, unroll=False)
        pltpu.sync_copy(rows, m_sh.at[dst_b[b]], add=True)

    issue(0, 0)
    issue(1, 1)

    def pair_step(p, carry):
        process(2 * p, 0)
        issue(2 * p + 2, 0)
        process(2 * p + 1, 1)

        @pl.when(p < N_CHUNKS // 2 - 1)
        def _():
            issue(2 * p + 3, 1)

        return carry

    lax.fori_loop(0, N_CHUNKS // 2, pair_step, 0, unroll=False)
    process(N_CHUNKS - 1, 0)

    plsc.subcore_barrier()
    pltpu.sync_copy(
        m_sh.at[pl.ds(s * ROWS_PER_TILE, ROWS_PER_TILE)],
        out_hbm.at[pl.ds(c * N_PAD + s * ROWS_PER_TILE, ROWS_PER_TILE)],
    )


def _sc_aggregate(hv, he, src, dst, zeros):
    mesh = plsc.VectorSubcoreMesh(core_axis_name="c", subcore_axis_name="s")
    kfn = functools.partial(
        pl.kernel,
        out_type=jax.ShapeDtypeStruct((NC * N_PAD, D), jnp.float32),
        mesh=mesh,
        scratch_types=[
            pltpu.VMEM_SHARED((N_PAD, D), jnp.float32),
            pltpu.VMEM((EDGES_PER_TILE,), jnp.int32),
            [pltpu.VMEM((CHUNK, D), jnp.float32) for _ in range(2)],
            [pltpu.VMEM((CHUNK, D), jnp.float32) for _ in range(2)],
            [pltpu.VMEM((CHUNK,), jnp.int32) for _ in range(2)],
            [pltpu.SemaphoreType.DMA for _ in range(2)],
        ],
    )(_sc_body)
    return kfn(hv, he, src, dst, zeros)


def _out_body(p_ref, wm1_ref, bm1_ref, wm2_ref, bm2_ref, out_ref):
    m = (p_ref[0] + p_ref[1]) + (p_ref[2] + p_ref[3])
    h = jnp.dot(m, wm1_ref[...], preferred_element_type=jnp.float32) + bm1_ref[...]
    h = h * jax.nn.sigmoid(h)
    out_ref[...] = (
        jnp.dot(h, wm2_ref[...], preferred_element_type=jnp.float32) + bm2_ref[...]
    )


def _compute_out(partials, Wm1, bm1, Wm2, bm2):
    n_blocks = N_NODES // N_BLK
    return pl.pallas_call(
        _out_body,
        grid=(n_blocks,),
        in_specs=[
            pl.BlockSpec((4, N_BLK, D), lambda i: (0, i, 0)),
            pl.BlockSpec((D, D), lambda i: (0, 0)),
            pl.BlockSpec((1, D), lambda i: (0, 0)),
            pl.BlockSpec((D, D), lambda i: (0, 0)),
            pl.BlockSpec((1, D), lambda i: (0, 0)),
        ],
        out_specs=pl.BlockSpec((N_BLK, D), lambda i: (i, 0)),
        out_shape=jax.ShapeDtypeStruct((N_NODES, D), jnp.float32),
    )(partials, Wm1, bm1, Wm2, bm2)


def kernel(feat, fij, rij, edge_index, W_in2f, Wf1, bf1, Wf2, bf2, Wm1, bm1, Wm2, bm2):
    src = edge_index[0]
    dst = edge_index[1]
    zeros = jnp.zeros((ROWS_PER_TILE, D), jnp.float32)
    bf2s = bf2.reshape(1, D)

    hv = _compute_hv(feat, W_in2f)
    fijT = fij.T
    parts = []
    for h in range(2):
        sl = slice(h * N_EDGES_H, (h + 1) * N_EDGES_H)
        c_col = _compute_c(
            rij[sl].reshape(N_EDGES_H // D, D)).reshape(N_EDGES_H, 1)
        he = _compute_he(fijT[:, sl], c_col, Wf1, bf1.reshape(1, D), bf2s, Wf2)
        parts.append(_sc_aggregate(hv, he, src[sl], dst[sl], zeros))
    partials = jnp.stack(
        [parts[0].reshape(NC, N_PAD, D), parts[1].reshape(NC, N_PAD, D)],
        axis=0).reshape(2 * NC, N_PAD, D)
    return _compute_out(partials, Wm1, bm1.reshape(1, D), Wm2, bm2.reshape(1, D))

# --- scband reference (transcript-rebuilt; emitter-appended) ---
"""Pipeline reference for scband-compute-message-9216999817568 (READ-ONLY COPY).

The authoritative reference and input builder live on the scoring server;
editing this copy changes nothing except your own understanding.
"""

import jax, jax.numpy as jnp
import numpy as np

N_NODES = 10000
N_EDGES = 320000
D = 128       # n_in == n_filters
G = 50        # n_gaussians (RBF expansion of distances)
CUTOFF = 5.0


def _ssp(x):
    # shifted softplus, the SchNet filter-network activation
    return jnp.logaddexp(x, 0.0) - jnp.log(2.0)


def _swish(x):
    return x * jax.nn.sigmoid(x)


def setup_inputs(seed: int = 0) -> dict:
    key = jax.random.key(seed)
    ks = jax.random.split(key, 14)
    feat = jax.random.normal(ks[0], (N_NODES, D), dtype=jnp.float32)
    fij = jax.random.uniform(ks[1], (N_EDGES, G), dtype=jnp.float32)
    rij = jax.random.uniform(ks[2], (N_EDGES,), dtype=jnp.float32) * CUTOFF
    edge_index = jax.random.randint(ks[3], (2, N_EDGES), 0, N_NODES, dtype=jnp.int32)
    # learned parameters
    W_in2f = jax.random.normal(ks[4], (D, D), dtype=jnp.float32) / np.sqrt(D)   # Dense(n_in, n_filters, bias=False)
    Wf1 = jax.random.normal(ks[5], (G, D), dtype=jnp.float32) / np.sqrt(G)      # filter_network layer 1
    bf1 = jnp.zeros((D,), dtype=jnp.float32)
    Wf2 = jax.random.normal(ks[6], (D, D), dtype=jnp.float32) / np.sqrt(D)      # filter_network layer 2
    bf2 = jnp.zeros((D,), dtype=jnp.float32)
    Wm1 = jax.random.normal(ks[7], (D, D), dtype=jnp.float32) / np.sqrt(D)      # msg_transform layer 1
    bm1 = jnp.zeros((D,), dtype=jnp.float32)
    Wm2 = jax.random.normal(ks[8], (D, D), dtype=jnp.float32) / np.sqrt(D)      # msg_transform layer 2
    bm2 = jnp.zeros((D,), dtype=jnp.float32)
    return {
        "feat": feat, "fij": fij, "rij": rij, "edge_index": edge_index,
        "W_in2f": W_in2f, "Wf1": Wf1, "bf1": bf1, "Wf2": Wf2, "bf2": bf2,
        "Wm1": Wm1, "bm1": bm1, "Wm2": Wm2, "bm2": bm2,
    }


def reference(feat, fij, rij, edge_index, W_in2f, Wf1, bf1, Wf2, bf2, Wm1, bm1, Wm2, bm2):
    src = edge_index[0]
    dst = edge_index[1]
    # cosine cutoff network C(r) = 0.5*(cos(pi*r/cutoff)+1) * (r < cutoff)
    C = 0.5 * (jnp.cos(rij * jnp.pi / CUTOFF) + 1.0) * (rij < CUTOFF).astype(rij.dtype)
    # filter network on expanded distances: Dense(G->D, ssp) -> Dense(D->D)
    Wfilt = _ssp(fij @ Wf1 + bf1) @ Wf2 + bf2
    he = Wfilt * C[:, None]                      # g.edata['he']
    hv = feat @ W_in2f                           # g.ndata['hv'] = in2f(feat), no bias
    m_e = jnp.take(hv, src, axis=0) * he         # dgl.ops.u_mul_e (gather src features, multiply edge filter)
    m = jax.ops.segment_sum(m_e, dst, num_segments=N_NODES)  # sum aggregator over incoming edges
    # msg_transform: Dense(D->D, swish) -> Dense(D->D)
    out = _swish(m @ Wm1 + bm1) @ Wm2 + bm2
    return out

if __name__ == "__main__":
    import jax
    _d = setup_inputs()
    print(jax.jit(kernel)(*tuple(_d.values())))

</pallas_src>

<mosaic_0001>
#map = affine_map<(d0, d1) -> (0, 0)>
#map1 = affine_map<(d0, d1) -> (0)>
module attributes {stable_mosaic.version = 14 : i64} {
  func.func @_sc_body(%arg0: i32, %arg1: i32, %arg2: memref<10000x128xf32, #tpu.memory_space<hbm>>, %arg3: memref<160000x128xf32, #tpu.memory_space<hbm>>, %arg4: memref<160000xi32, #tpu.memory_space<hbm>>, %arg5: memref<160000xi32, #tpu.memory_space<hbm>>, %arg6: memref<640x128xf32, #tpu.memory_space<hbm>>, %arg7: memref<20480x128xf32, #tpu.memory_space<hbm>>, %arg8: memref<10240x128xf32, #tpu.memory_space<vmem_shared>>, %arg9: memref<5000xi32, #tpu.memory_space<vmem>>, %arg10: memref<40x128xf32, #tpu.memory_space<vmem>>, %arg11: memref<40x128xf32, #tpu.memory_space<vmem>>, %arg12: memref<40x128xf32, #tpu.memory_space<vmem>>, %arg13: memref<40x128xf32, #tpu.memory_space<vmem>>, %arg14: memref<40xi32, #tpu.memory_space<vmem>>, %arg15: memref<40xi32, #tpu.memory_space<vmem>>, %arg16: memref<!tpu.dma_semaphore, #tpu.memory_space<semaphore_mem>>, %arg17: memref<!tpu.dma_semaphore, #tpu.memory_space<semaphore_mem>>) attributes {dimension_semantics = [#tpu.dimension_semantics<core_parallel>, #tpu.dimension_semantics<subcore_parallel>], iteration_bounds = array<i64: 2, 16>, scalar_prefetch = 0 : i64, scratch_operands = 10 : i64, tpu.core_type = #tpu.core_type<sc_vector_subcore>, window_params = [{transform_indices = #map}, {transform_indices = #map}, {transform_indices = #map1}, {transform_indices = #map1}, {transform_indices = #map}, {transform_indices = #map}]} {
    %mul3A = arith.constant 2 : i32
    %mul3A_0 = arith.muli %arg1, %mul3A : i32
    %add3A = arith.addi %mul3A_0, %arg0 : i32
    %mul3A_1 = arith.constant 5000 : i32
    %mul3A_2 = arith.muli %add3A, %mul3A_1 : i32
    %mul3A_3 = arith.constant 640 : i32
    %mul3A_4 = arith.muli %arg1, %mul3A_3 : i32
    "tpu.region"() ({
      %run_scoped3A = tpu.sem_alloc : memref<!tpu.dma_semaphore, #tpu.memory_space<semaphore_mem>>
      %dma_start3A_67 = arith.constant 0 : i32
      %dma_start3A_68 = tpu.memref_slice %arg8[%mul3A_4, %dma_start3A_67] : memref<10240x128xf32, #tpu.memory_space<vmem_shared>> -> memref<640x128xf32, #tpu.memory_space<vmem_shared>>
      tpu.enqueue_dma source(%arg6 : memref<640x128xf32, #tpu.memory_space<hbm>>) target(%dma_start3A_68 : memref<640x128xf32, #tpu.memory_space<vmem_shared>>) target_semaphore(%run_scoped3A : memref<!tpu.dma_semaphore, #tpu.memory_space<semaphore_mem>>)
      %dma_wait3A_69 = arith.constant 0 : i32
      %dma_wait3A_70 = tpu.memref_slice %arg8[%mul3A_4, %dma_wait3A_69] : memref<10240x128xf32, #tpu.memory_space<vmem_shared>> -> memref<640x128xf32, #tpu.memory_space<vmem_shared>>
      tpu.wait_dma2 semaphore(%run_scoped3A : memref<!tpu.dma_semaphore, #tpu.memory_space<semaphore_mem>>) src(%arg6 : memref<640x128xf32, #tpu.memory_space<hbm>>) dst(%dma_wait3A_70 : memref<640x128xf32, #tpu.memory_space<vmem_shared>>)
      tpu.yield
    }) : () -> ()
    "tpu.region"() ({
      %run_scoped3A = tpu.sem_alloc : memref<!tpu.dma_semaphore, #tpu.memory_space<semaphore_mem>>
      %dma_start3A_67 = tpu.memref_slice %arg4[%mul3A_2] : memref<160000xi32, #tpu.memory_space<hbm>> -> memref<5000xi32, #tpu.memory_space<hbm>>
      %dma_start3A_68 = tpu.memref_slice %arg4[%mul3A_2] : memref<160000xi32, #tpu.memory_space<hbm>> -> memref<5000xi32, #tpu.memory_space<hbm>>
      tpu.enqueue_dma source(%dma_start3A_68 : memref<5000xi32, #tpu.memory_space<hbm>>) target(%arg9 : memref<5000xi32, #tpu.memory_space<vmem>>) target_semaphore(%run_scoped3A : memref<!tpu.dma_semaphore, #tpu.memory_space<semaphore_mem>>)
      %dma_wait3A_69 = tpu.memref_slice %arg4[%mul3A_2] : memref<160000xi32, #tpu.memory_space<hbm>> -> memref<5000xi32, #tpu.memory_space<hbm>>
      %dma_wait3A_70 = tpu.memref_slice %arg4[%mul3A_2] : memref<160000xi32, #tpu.memory_space<hbm>> -> memref<5000xi32, #tpu.memory_space<hbm>>
      tpu.wait_dma2 semaphore(%run_scoped3A : memref<!tpu.dma_semaphore, #tpu.memory_space<semaphore_mem>>) src(%dma_wait3A_70 : memref<5000xi32, #tpu.memory_space<hbm>>) dst(%arg9 : memref<5000xi32, #tpu.memory_space<vmem>>)
      tpu.yield
    }) : () -> ()
    %barrier3A = arith.constant 0 : index
    tpu.barrier barrier_id(%barrier3A)
    %dma_start3A = arith.constant 0 : i32
    %dma_start3A_5 = tpu.memref_slice %arg9[%dma_start3A] : memref<5000xi32, #tpu.memory_space<vmem>> -> memref<40xi32, #tpu.memory_space<vmem>>
    %dma_start3A_6 = arith.constant 0 : i32
    %dma_start3A_7 = arith.constant 0 : i32
    %dma_start3A_8 = tpu.memref_slice %arg2[%dma_start3A_6, %dma_start3A_7] : memref<10000x128xf32, #tpu.memory_space<hbm>> -> memref<10000x128xf32, #tpu.memory_space<hbm>>
    tpu.enqueue_indirect_dma source(%dma_start3A_8 : memref<10000x128xf32, #tpu.memory_space<hbm>>) target(%arg10 : memref<40x128xf32, #tpu.memory_space<vmem>>) offsets(%dma_start3A_5 : memref<40xi32, #tpu.memory_space<vmem>>) semaphore(%arg16 : memref<!tpu.dma_semaphore, #tpu.memory_space<semaphore_mem>>)
    %add3A_9 = arith.constant 0 : i32
    %add3A_10 = arith.addi %mul3A_2, %add3A_9 : i32
    %dma_start3A_11 = arith.constant 0 : i32
    %dma_start3A_12 = tpu.memref_slice %arg3[%add3A_10, %dma_start3A_11] : memref<160000x128xf32, #tpu.memory_space<hbm>> -> memref<40x128xf32, #tpu.memory_space<hbm>>
    %dma_start3A_13 = arith.constant 0 : i32
    %dma_start3A_14 = tpu.memref_slice %arg3[%add3A_10, %dma_start3A_13] : memref<160000x128xf32, #tpu.memory_space<hbm>> -> memref<40x128xf32, #tpu.memory_space<hbm>>
    tpu.enqueue_dma source(%dma_start3A_14 : memref<40x128xf32, #tpu.memory_space<hbm>>) target(%arg12 : memref<40x128xf32, #tpu.memory_space<vmem>>) target_semaphore(%arg16 : memref<!tpu.dma_semaphore, #tpu.memory_space<semaphore_mem>>)
    %add3A_15 = arith.constant 0 : i32
    %add3A_16 = arith.addi %mul3A_2, %add3A_15 : i32
    %dma_start3A_17 = tpu.memref_slice %arg5[%add3A_16] : memref<160000xi32, #tpu.memory_space<hbm>> -> memref<40xi32, #tpu.memory_space<hbm>>
    %dma_start3A_18 = tpu.memref_slice %arg5[%add3A_16] : memref<160000xi32, #tpu.memory_space<hbm>> -> memref<40xi32, #tpu.memory_space<hbm>>
    tpu.enqueue_dma source(%dma_start3A_18 : memref<40xi32, #tpu.memory_space<hbm>>) target(%arg14 : memref<40xi32, #tpu.memory_space<vmem>>) target_semaphore(%arg16 : memref<!tpu.dma_semaphore, #tpu.memory_space<semaphore_mem>>)
    %dma_start3A_19 = arith.constant 40 : i32
    %dma_start3A_20 = tpu.memref_slice %arg9[%dma_start3A_19] : memref<5000xi32, #tpu.memory_space<vmem>> -> memref<40xi32, #tpu.memory_space<vmem>>
    %dma_start3A_21 = arith.constant 0 : i32
    %dma_start3A_22 = arith.constant 0 : i32
    %dma_start3A_23 = tpu.memref_slice %arg2[%dma_start3A_21, %dma_start3A_22] : memref<10000x128xf32, #tpu.memory_space<hbm>> -> memref<10000x128xf32, #tpu.memory_space<hbm>>
    tpu.enqueue_indirect_dma source(%dma_start3A_23 : memref<10000x128xf32, #tpu.memory_space<hbm>>) target(%arg11 : memref<40x128xf32, #tpu.memory_space<vmem>>) offsets(%dma_start3A_20 : memref<40xi32, #tpu.memory_space<vmem>>) semaphore(%arg17 : memref<!tpu.dma_semaphore, #tpu.memory_space<semaphore_mem>>)
    %add3A_24 = arith.constant 40 : i32
    %add3A_25 = arith.addi %mul3A_2, %add3A_24 : i32
    %dma_start3A_26 = arith.constant 0 : i32
    %dma_start3A_27 = tpu.memref_slice %arg3[%add3A_25, %dma_start3A_26] : memref<160000x128xf32, #tpu.memory_space<hbm>> -> memref<40x128xf32, #tpu.memory_space<hbm>>
    %dma_start3A_28 = arith.constant 0 : i32
    %dma_start3A_29 = tpu.memref_slice %arg3[%add3A_25, %dma_start3A_28] : memref<160000x128xf32, #tpu.memory_space<hbm>> -> memref<40x128xf32, #tpu.memory_space<hbm>>
    tpu.enqueue_dma source(%dma_start3A_29 : memref<40x128xf32, #tpu.memory_space<hbm>>) target(%arg13 : memref<40x128xf32, #tpu.memory_space<vmem>>) target_semaphore(%arg17 : memref<!tpu.dma_semaphore, #tpu.memory_space<semaphore_mem>>)
    %add3A_30 = arith.constant 40 : i32
    %add3A_31 = arith.addi %mul3A_2, %add3A_30 : i32
    %dma_start3A_32 = tpu.memref_slice %arg5[%add3A_31] : memref<160000xi32, #tpu.memory_space<hbm>> -> memref<40xi32, #tpu.memory_space<hbm>>
    %dma_start3A_33 = tpu.memref_slice %arg5[%add3A_31] : memref<160000xi32, #tpu.memory_space<hbm>> -> memref<40xi32, #tpu.memory_space<hbm>>
    tpu.enqueue_dma source(%dma_start3A_33 : memref<40xi32, #tpu.memory_space<hbm>>) target(%arg15 : memref<40xi32, #tpu.memory_space<vmem>>) target_semaphore(%arg17 : memref<!tpu.dma_semaphore, #tpu.memory_space<semaphore_mem>>)
    %scan3A = arith.constant 0 : i32
    %scan3A_34 = arith.constant 0 : i32
    %scan3A_35 = arith.constant 62 : i32
    %scan3A_36 = arith.addi %scan3A_34, %scan3A_35 : i32
    %scan3A_37 = arith.constant 1 : i32
    scf.for %scan3A_67 = %scan3A_34 to %scan3A_36 step %scan3A_37  : i32 {
      %mul3A_68 = arith.constant 2 : i32
      %mul3A_69 = arith.muli %mul3A_68, %scan3A_67 : i32
      %mul3A_70 = arith.constant 40 : i32
      %mul3A_71 = arith.muli %mul3A_69, %mul3A_70 : i32
      %dma_wait3A_72 = tpu.memref_slice %arg9[%mul3A_71] : memref<5000xi32, #tpu.memory_space<vmem>> -> memref<40xi32, #tpu.memory_space<vmem>>
      %dma_wait3A_73 = arith.constant 0 : i32
      %dma_wait3A_74 = arith.constant 0 : i32
      %dma_wait3A_75 = tpu.memref_slice %arg2[%dma_wait3A_73, %dma_wait3A_74] : memref<10000x128xf32, #tpu.memory_space<hbm>> -> memref<10000x128xf32, #tpu.memory_space<hbm>>
      tpu.wait_indirect_dma semaphore(%arg16 : memref<!tpu.dma_semaphore, #tpu.memory_space<semaphore_mem>>) src(%dma_wait3A_75 : memref<10000x128xf32, #tpu.memory_space<hbm>>) dst(%arg10 : memref<40x128xf32, #tpu.memory_space<vmem>>)
      %mul3A_76 = arith.constant 40 : i32
      %mul3A_77 = arith.muli %mul3A_69, %mul3A_76 : i32
      %add3A_78 = arith.addi %mul3A_2, %mul3A_77 : i32
      %dma_wait3A_79 = arith.constant 0 : i32
      %dma_wait3A_80 = tpu.memref_slice %arg3[%add3A_78, %dma_wait3A_79] : memref<160000x128xf32, #tpu.memory_space<hbm>> -> memref<40x128xf32, #tpu.memory_space<hbm>>
      %dma_wait3A_81 = arith.constant 0 : i32
      %dma_wait3A_82 = tpu.memref_slice %arg3[%add3A_78, %dma_wait3A_81] : memref<160000x128xf32, #tpu.memory_space<hbm>> -> memref<40x128xf32, #tpu.memory_space<hbm>>
      tpu.wait_dma2 semaphore(%arg16 : memref<!tpu.dma_semaphore, #tpu.memory_space<semaphore_mem>>) src(%dma_wait3A_82 : memref<40x128xf32, #tpu.memory_space<hbm>>) dst(%arg12 : memref<40x128xf32, #tpu.memory_space<vmem>>)
      %mul3A_83 = arith.constant 40 : i32
      %mul3A_84 = arith.muli %mul3A_69, %mul3A_83 : i32
      %add3A_85 = arith.addi %mul3A_2, %mul3A_84 : i32
      %dma_wait3A_86 = tpu.memref_slice %arg5[%add3A_85] : memref<160000xi32, #tpu.memory_space<hbm>> -> memref<40xi32, #tpu.memory_space<hbm>>
      %dma_wait3A_87 = tpu.memref_slice %arg5[%add3A_85] : memref<160000xi32, #tpu.memory_space<hbm>> -> memref<40xi32, #tpu.memory_space<hbm>>
      tpu.wait_dma2 semaphore(%arg16 : memref<!tpu.dma_semaphore, #tpu.memory_space<semaphore_mem>>) src(%dma_wait3A_87 : memref<40xi32, #tpu.memory_space<hbm>>) dst(%arg14 : memref<40xi32, #tpu.memory_space<vmem>>)
      %scan3A_88 = arith.constant 0 : i32
      %scan3A_89 = arith.constant 0 : i32
      %scan3A_90 = arith.constant 40 : i32
      %scan3A_91 = arith.addi %scan3A_89, %scan3A_90 : i32
      %scan3A_92 = arith.constant 1 : i32
      scf.for %scan3A_146 = %scan3A_89 to %scan3A_91 step %scan3A_92  : i32 {
        %get3A = arith.index_cast %scan3A_146 : i32 to index
        %get3A_147 = arith.constant 0 : index
        %get3A_148 = tpu.vector_load %arg10[%get3A, %get3A_147] {strides = array<i32>} : memref<40x128xf32, #tpu.memory_space<vmem>>, vector<1x16xf32>,
        %get3A_149 = vector.shape_cast %get3A_148 : vector<1x16xf32> to vector<16xf32>
        %get3A_150 = arith.index_cast %scan3A_146 : i32 to index
        %get3A_151 = arith.constant 0 : index
        %get3A_152 = tpu.vector_load %arg12[%get3A_150, %get3A_151] {strides = array<i32>} : memref<40x128xf32, #tpu.memory_space<vmem>>, vector<1x16xf32>,
        %get3A_153 = vector.shape_cast %get3A_152 : vector<1x16xf32> to vector<16xf32>
        %mul3A_154 = arith.mulf %get3A_149, %get3A_153 : vector<16xf32>
        %swap3A = arith.index_cast %scan3A_146 : i32 to index
        %swap3A_155 = arith.constant 0 : index
        %swap3A_156 = tpu.vector_load %arg10[%swap3A, %swap3A_155] {strides = array<i32>} : memref<40x128xf32, #tpu.memory_space<vmem>>, vector<1x16xf32>,
        %swap3A_157 = vector.shape_cast %swap3A_156 : vector<1x16xf32> to vector<16xf32>
        %swap3A_158 = vector.shape_cast %mul3A_154 : vector<16xf32> to vector<1x16xf32>
        tpu.vector_store %arg10[%swap3A, %swap3A_155], %swap3A_158 {strides = array<i32>} : memref<40x128xf32, #tpu.memory_space<vmem>>, vector<1x16xf32>,
        %get3A_159 = arith.index_cast %scan3A_146 : i32 to index
        %get3A_160 = arith.constant 16 : index
        %get3A_161 = tpu.vector_load %arg10[%get3A_159, %get3A_160] {strides = array<i32>} : memref<40x128xf32, #tpu.memory_space<vmem>>, vector<1x16xf32>,
        %get3A_162 = vector.shape_cast %get3A_161 : vector<1x16xf32> to vector<16xf32>
        %get3A_163 = arith.index_cast %scan3A_146 : i32 to index
        %get3A_164 = arith.constant 16 : index
        %get3A_165 = tpu.vector_load %arg12[%get3A_163, %get3A_164] {strides = array<i32>} : memref<40x128xf32, #tpu.memory_space<vmem>>, vector<1x16xf32>,
        %get3A_166 = vector.shape_cast %get3A_165 : vector<1x16xf32> to vector<16xf32>
        %mul3A_167 = arith.mulf %get3A_162, %get3A_166 : vector<16xf32>
        %swap3A_168 = arith.index_cast %scan3A_146 : i32 to index
        %swap3A_169 = arith.constant 16 : index
        %swap3A_170 = tpu.vector_load %arg10[%swap3A_168, %swap3A_169] {strides = array<i32>} : memref<40x128xf32, #tpu.memory_space<vmem>>, vector<1x16xf32>,
        %swap3A_171 = vector.shape_cast %swap3A_170 : vector<1x16xf32> to vector<16xf32>
        %swap3A_172 = vector.shape_cast %mul3A_167 : vector<16xf32> to vector<1x16xf32>
        tpu.vector_store %arg10[%swap3A_168, %swap3A_169], %swap3A_172 {strides = array<i32>} : memref<40x128xf32, #tpu.memory_space<vmem>>, vector<1x16xf32>,
        %get3A_173 = arith.index_cast %scan3A_146 : i32 to index
        %get3A_174 = arith.constant 32 : index
        %get3A_175 = tpu.vector_load %arg10[%get3A_173, %get3A_174] {strides = array<i32>} : memref<40x128xf32, #tpu.memory_space<vmem>>, vector<1x16xf32>,
        %get3A_176 = vector.shape_cast %get3A_175 : vector<1x16xf32> to vector<16xf32>
        %get3A_177 = arith.index_cast %scan3A_146 : i32 to index
        %get3A_178 = arith.constant 32 : index
        %get3A_179 = tpu.vector_load %arg12[%get3A_177, %get3A_178] {strides = array<i32>} : memref<40x128xf32, #tpu.memory_space<vmem>>, vector<1x16xf32>,
        %get3A_180 = vector.shape_cast %get3A_179 : vector<1x16xf32> to vector<16xf32>
        %mul3A_181 = arith.mulf %get3A_176, %get3A_180 : vector<16xf32>
        %swap3A_182 = arith.index_cast %scan3A_146 : i32 to index
        %swap3A_183 = arith.constant 32 : index
        %swap3A_184 = tpu.vector_load %arg10[%swap3A_182, %swap3A_183] {strides = array<i32>} : memref<40x128xf32, #tpu.memory_space<vmem>>, vector<1x16xf32>,
        %swap3A_185 = vector.shape_cast %swap3A_184 : vector<1x16xf32> to vector<16xf32>
        %swap3A_186 = vector.shape_cast %mul3A_181 : vector<16xf32> to vector<1x16xf32>
        tpu.vector_store %arg10[%swap3A_182, %swap3A_183], %swap3A_186 {strides = array<i32>} : memref<40x128xf32, #tpu.memory_space<vmem>>, vector<1x16xf32>,
        %get3A_187 = arith.index_cast %scan3A_146 : i32 to index
        %get3A_188 = arith.constant 48 : index
        %get3A_189 = tpu.vector_load %arg10[%get3A_187, %get3A_188] {strides = array<i32>} : memref<40x128xf32, #tpu.memory_space<vmem>>, vector<1x16xf32>,
        %get3A_190 = vector.shape_cast %get3A_189 : vector<1x16xf32> to vector<16xf32>
        %get3A_191 = arith.index_cast %scan3A_146 : i32 to index
        %get3A_192 = arith.constant 48 : index
        %get3A_193 = tpu.vector_load %arg12[%get3A_191, %get3A_192] {strides = array<i32>} : memref<40x128xf32, #tpu.memory_space<vmem>>, vector<1x16xf32>,
        %get3A_194 = vector.shape_cast %get3A_193 : vector<1x16xf32> to vector<16xf32>
        %mul3A_195 = arith.mulf %get3A_190, %get3A_194 : vector<16xf32>
        %swap3A_196 = arith.index_cast %scan3A_146 : i32 to index
        %swap3A_197 = arith.constant 48 : index
        %swap3A_198 = tpu.vector_load %arg10[%swap3A_196, %swap3A_197] {strides = array<i32>} : memref<40x128xf32, #tpu.memory_space<vmem>>, vector<1x16xf32>,
        %swap3A_199 = vector.shape_cast %swap3A_198 : vector<1x16xf32> to vector<16xf32>
        %swap3A_200 = vector.shape_cast %mul3A_195 : vector<16xf32> to vector<1x16xf32>
        tpu.vector_store %arg10[%swap3A_196, %swap3A_197], %swap3A_200 {strides = array<i32>} : memref<40x128xf32, #tpu.memory_space<vmem>>, vector<1x16xf32>,
        %get3A_201 = arith.index_cast %scan3A_146 : i32 to index
        %get3A_202 = arith.constant 64 : index
        %get3A_203 = tpu.vector_load %arg10[%get3A_201, %get3A_202] {strides = array<i32>} : memref<40x128xf32, #tpu.memory_space<vmem>>, vector<1x16xf32>,
        %get3A_204 = vector.shape_cast %get3A_203 : vector<1x16xf32> to vector<16xf32>
        %get3A_205 = arith.index_cast %scan3A_146 : i32 to index
        %get3A_206 = arith.constant 64 : index
        %get3A_207 = tpu.vector_load %arg12[%get3A_205, %get3A_206] {strides = array<i32>} : memref<40x128xf32, #tpu.memory_space<vmem>>, vector<1x16xf32>,
        %get3A_208 = vector.shape_cast %get3A_207 : vector<1x16xf32> to vector<16xf32>
        %mul3A_209 = arith.mulf %get3A_204, %get3A_208 : vector<16xf32>
        %swap3A_210 = arith.index_cast %scan3A_146 : i32 to index
        %swap3A_211 = arith.constant 64 : index
        %swap3A_212 = tpu.vector_load %arg10[%swap3A_210, %swap3A_211] {strides = array<i32>} : memref<40x128xf32, #tpu.memory_space<vmem>>, vector<1x16xf32>,
        %swap3A_213 = vector.shape_cast %swap3A_212 : vector<1x16xf32> to vector<16xf32>
        %swap3A_214 = vector.shape_cast %mul3A_209 : vector<16xf32> to vector<1x16xf32>
        tpu.vector_store %arg10[%swap3A_210, %swap3A_211], %swap3A_214 {strides = array<i32>} : memref<40x128xf32, #tpu.memory_space<vmem>>, vector<1x16xf32>,
        %get3A_215 = arith.index_cast %scan3A_146 : i32 to index
        %get3A_216 = arith.constant 80 : index
        %get3A_217 = tpu.vector_load %arg10[%get3A_215, %get3A_216] {strides = array<i32>} : memref<40x128xf32, #tpu.memory_space<vmem>>, vector<1x16xf32>,
        %get3A_218 = vector.shape_cast %get3A_217 : vector<1x16xf32> to vector<16xf32>
        %get3A_219 = arith.index_cast %scan3A_146 : i32 to index
        %get3A_220 = arith.constant 80 : index
        %get3A_221 = tpu.vector_load %arg12[%get3A_219, %get3A_220] {strides = array<i32>} : memref<40x128xf32, #tpu.memory_space<vmem>>, vector<1x16xf32>,
        %get3A_222 = vector.shape_cast %get3A_221 : vector<1x16xf32> to vector<16xf32>
        %mul3A_223 = arith.mulf %get3A_218, %get3A_222 : vector<16xf32>
        %swap3A_224 = arith.index_cast %scan3A_146 : i32 to index
        %swap3A_225 = arith.constant 80 : index
        %swap3A_226 = tpu.vector_load %arg10[%swap3A_224, %swap3A_225] {strides = array<i32>} : memref<40x128xf32, #tpu.memory_space<vmem>>, vector<1x16xf32>,
        %swap3A_227 = vector.shape_cast %swap3A_226 : vector<1x16xf32> to vector<16xf32>
        %swap3A_228 = vector.shape_cast %mul3A_223 : vector<16xf32> to vector<1x16xf32>
        tpu.vector_store %arg10[%swap3A_224, %swap3A_225], %swap3A_228 {strides = array<i32>} : memref<40x128xf32, #tpu.memory_space<vmem>>, vector<1x16xf32>,
        %get3A_229 = arith.index_cast %scan3A_146 : i32 to index
        %get3A_230 = arith.constant 96 : index
        %get3A_231 = tpu.vector_load %arg10[%get3A_229, %get3A_230] {strides = array<i32>} : memref<40x128xf32, #tpu.memory_space<vmem>>, vector<1x16xf32>,
        %get3A_232 = vector.shape_cast %get3A_231 : vector<1x16xf32> to vector<16xf32>
        %get3A_233 = arith.index_cast %scan3A_146 : i32 to index
        %get3A_234 = arith.constant 96 : index
        %get3A_235 = tpu.vector_load %arg12[%get3A_233, %get3A_234] {strides = array<i32>} : memref<40x128xf32, #tpu.memory_space<vmem>>, vector<1x16xf32>,
        %get3A_236 = vector.shape_cast %get3A_235 : vector<1x16xf32> to vector<16xf32>
        %mul3A_237 = arith.mulf %get3A_232, %get3A_236 : vector<16xf32>
        %swap3A_238 = arith.index_cast %scan3A_146 : i32 to index
        %swap3A_239 = arith.constant 96 : index
        %swap3A_240 = tpu.vector_load %arg10[%swap3A_238, %swap3A_239] {strides = array<i32>} : memref<40x128xf32, #tpu.memory_space<vmem>>, vector<1x16xf32>,
        %swap3A_241 = vector.shape_cast %swap3A_240 : vector<1x16xf32> to vector<16xf32>
        %swap3A_242 = vector.shape_cast %mul3A_237 : vector<16xf32> to vector<1x16xf32>
        tpu.vector_store %arg10[%swap3A_238, %swap3A_239], %swap3A_242 {strides = array<i32>} : memref<40x128xf32, #tpu.memory_space<vmem>>, vector<1x16xf32>,
        %get3A_243 = arith.index_cast %scan3A_146 : i32 to index
        %get3A_244 = arith.constant 112 : index
        %get3A_245 = tpu.vector_load %arg10[%get3A_243, %get3A_244] {strides = array<i32>} : memref<40x128xf32, #tpu.memory_space<vmem>>, vector<1x16xf32>,
        %get3A_246 = vector.shape_cast %get3A_245 : vector<1x16xf32> to vector<16xf32>
        %get3A_247 = arith.index_cast %scan3A_146 : i32 to index
        %get3A_248 = arith.constant 112 : index
        %get3A_249 = tpu.vector_load %arg12[%get3A_247, %get3A_248] {strides = array<i32>} : memref<40x128xf32, #tpu.memory_space<vmem>>, vector<1x16xf32>,
        %get3A_250 = vector.shape_cast %get3A_249 : vector<1x16xf32> to vector<16xf32>
        %mul3A_251 = arith.mulf %get3A_246, %get3A_250 : vector<16xf32>
        %swap3A_252 = arith.index_cast %scan3A_146 : i32 to index
        %swap3A_253 = arith.constant 112 : index
        %swap3A_254 = tpu.vector_load %arg10[%swap3A_252, %swap3A_253] {strides = array<i32>} : memref<40x128xf32, #tpu.memory_space<vmem>>, vector<1x16xf32>,
        %swap3A_255 = vector.shape_cast %swap3A_254 : vector<1x16xf32> to vector<16xf32>
        %swap3A_256 = vector.shape_cast %mul3A_251 : vector<16xf32> to vector<1x16xf32>
        tpu.vector_store %arg10[%swap3A_252, %swap3A_253], %swap3A_256 {strides = array<i32>} : memref<40x128xf32, #tpu.memory_space<vmem>>, vector<1x16xf32>,
      }
      %scan3A_93 = arith.constant 40 : i32
      "tpu.region"() ({
        %run_scoped3A = tpu.sem_alloc : memref<!tpu.dma_semaphore, #tpu.memory_space<semaphore_mem>>
        %dma_start3A_146 = arith.constant 0 : i32
        %dma_start3A_147 = arith.constant 0 : i32
        %dma_start3A_148 = tpu.memref_slice %arg8[%dma_start3A_146, %dma_start3A_147] : memref<10240x128xf32, #tpu.memory_space<vmem_shared>> -> memref<10240x128xf32, #tpu.memory_space<vmem_shared>>
        tpu.enqueue_indirect_dma source(%arg10 : memref<40x128xf32, #tpu.memory_space<vmem>>) target(%dma_start3A_148 : memref<10240x128xf32, #tpu.memory_space<vmem_shared>>) offsets(%arg14 : memref<40xi32, #tpu.memory_space<vmem>>) semaphore(%run_scoped3A : memref<!tpu.dma_semaphore, #tpu.memory_space<semaphore_mem>>) {add = true}
        %dma_wait3A_149 = arith.constant 0 : i32
        %dma_wait3A_150 = arith.constant 0 : i32
        %dma_wait3A_151 = tpu.memref_slice %arg8[%dma_wait3A_149, %dma_wait3A_150] : memref<10240x128xf32, #tpu.memory_space<vmem_shared>> -> memref<10240x128xf32, #tpu.memory_space<vmem_shared>>
        tpu.wait_indirect_dma semaphore(%run_scoped3A : memref<!tpu.dma_semaphore, #tpu.memory_space<semaphore_mem>>) src(%arg10 : memref<40x128xf32, #tpu.memory_space<vmem>>) dst(%dma_wait3A_151 : memref<10240x128xf32, #tpu.memory_space<vmem_shared>>)
        tpu.yield
      }) : () -> ()
      %mul3A_94 = arith.constant 2 : i32
      %mul3A_95 = arith.muli %mul3A_94, %scan3A_67 : i32
      %add3A_96 = arith.constant 2 : i32
      %add3A_97 = arith.addi %mul3A_95, %add3A_96 : i32
      %mul3A_98 = arith.constant 40 : i32
      %mul3A_99 = arith.muli %add3A_97, %mul3A_98 : i32
      %dma_start3A_100 = tpu.memref_slice %arg9[%mul3A_99] : memref<5000xi32, #tpu.memory_space<vmem>> -> memref<40xi32, #tpu.memory_space<vmem>>
      %dma_start3A_101 = arith.constant 0 : i32
      %dma_start3A_102 = arith.constant 0 : i32
      %dma_start3A_103 = tpu.memref_slice %arg2[%dma_start3A_101, %dma_start3A_102] : memref<10000x128xf32, #tpu.memory_space<hbm>> -> memref<10000x128xf32, #tpu.memory_space<hbm>>
      tpu.enqueue_indirect_dma source(%dma_start3A_103 : memref<10000x128xf32, #tpu.memory_space<hbm>>) target(%arg10 : memref<40x128xf32, #tpu.memory_space<vmem>>) offsets(%dma_start3A_100 : memref<40xi32, #tpu.memory_space<vmem>>) semaphore(%arg16 : memref<!tpu.dma_semaphore, #tpu.memory_space<semaphore_mem>>)
      %mul3A_104 = arith.constant 40 : i32
      %mul3A_105 = arith.muli %add3A_97, %mul3A_104 : i32
      %add3A_106 = arith.addi %mul3A_2, %mul3A_105 : i32
      %dma_start3A_107 = arith.constant 0 : i32
      %dma_start3A_108 = tpu.memref_slice %arg3[%add3A_106, %dma_start3A_107] : memref<160000x128xf32, #tpu.memory_space<hbm>> -> memref<40x128xf32, #tpu.memory_space<hbm>>
      %dma_start3A_109 = arith.constant 0 : i32
      %dma_start3A_110 = tpu.memref_slice %arg3[%add3A_106, %dma_start3A_109] : memref<160000x128xf32, #tpu.memory_space<hbm>> -> memref<40x128xf32, #tpu.memory_space<hbm>>
      tpu.enqueue_dma source(%dma_start3A_110 : memref<40x128xf32, #tpu.memory_space<hbm>>) target(%arg12 : memref<40x128xf32, #tpu.memory_space<vmem>>) target_semaphore(%arg16 : memref<!tpu.dma_semaphore, #tpu.memory_space<semaphore_mem>>)
      %mul3A_111 = arith.constant 40 : i32
      %mul3A_112 = arith.muli %add3A_97, %mul3A_111 : i32
      %add3A_113 = arith.addi %mul3A_2, %mul3A_112 : i32
      %dma_start3A_114 = tpu.memref_slice %arg5[%add3A_113] : memref<160000xi32, #tpu.memory_space<hbm>> -> memref<40xi32, #tpu.memory_space<hbm>>
      %dma_start3A_115 = tpu.memref_slice %arg5[%add3A_113] : memref<160000xi32, #tpu.memory_space<hbm>> -> memref<40xi32, #tpu.memory_space<hbm>>
      tpu.enqueue_dma source(%dma_start3A_115 : memref<40xi32, #tpu.memory_space<hbm>>) target(%arg14 : memref<40xi32, #tpu.memory_space<vmem>>) target_semaphore(%arg16 : memref<!tpu.dma_semaphore, #tpu.memory_space<semaphore_mem>>)
      %mul3A_116 = arith.constant 2 : i32
      %mul3A_117 = arith.muli %mul3A_116, %scan3A_67 : i32
      %add3A_118 = arith.constant 1 : i32
      %add3A_119 = arith.addi %mul3A_117, %add3A_118 : i32
      %mul3A_120 = arith.constant 40 : i32
      %mul3A_121 = arith.muli %add3A_119, %mul3A_120 : i32
      %dma_wait3A_122 = tpu.memref_slice %arg9[%mul3A_121] : memref<5000xi32, #tpu.memory_space<vmem>> -> memref<40xi32, #tpu.memory_space<vmem>>
      %dma_wait3A_123 = arith.constant 0 : i32
      %dma_wait3A_124 = arith.constant 0 : i32
      %dma_wait3A_125 = tpu.memref_slice %arg2[%dma_wait3A_123, %dma_wait3A_124] : memref<10000x128xf32, #tpu.memory_space<hbm>> -> memref<10000x128xf32, #tpu.memory_space<hbm>>
      tpu.wait_indirect_dma semaphore(%arg17 : memref<!tpu.dma_semaphore, #tpu.memory_space<semaphore_mem>>) src(%dma_wait3A_125 : memref<10000x128xf32, #tpu.memory_space<hbm>>) dst(%arg11 : memref<40x128xf32, #tpu.memory_space<vmem>>)
      %mul3A_126 = arith.constant 40 : i32
      %mul3A_127 = arith.muli %add3A_119, %mul3A_126 : i32
      %add3A_128 = arith.addi %mul3A_2, %mul3A_127 : i32
      %dma_wait3A_129 = arith.constant 0 : i32
      %dma_wait3A_130 = tpu.memref_slice %arg3[%add3A_128, %dma_wait3A_129] : memref<160000x128xf32, #tpu.memory_space<hbm>> -> memref<40x128xf32, #tpu.memory_space<hbm>>
      %dma_wait3A_131 = arith.constant 0 : i32
      %dma_wait3A_132 = tpu.memref_slice %arg3[%add3A_128, %dma_wait3A_131] : memref<160000x128xf32, #tpu.memory_space<hbm>> -> memref<40x128xf32, #tpu.memory_space<hbm>>
      tpu.wait_dma2 semaphore(%arg17 : memref<!tpu.dma_semaphore, #tpu.memory_space<semaphore_mem>>) src(%dma_wait3A_132 : memref<40x128xf32, #tpu.memory_space<hbm>>) dst(%arg13 : memref<40x128xf32, #tpu.memory_space<vmem>>)
      %mul3A_133 = arith.constant 40 : i32
      %mul3A_134 = arith.muli %add3A_119, %mul3A_133 : i32
      %add3A_135 = arith.addi %mul3A_2, %mul3A_134 : i32
      %dma_wait3A_136 = tpu.memref_slice %arg5[%add3A_135] : memref<160000xi32, #tpu.memory_space<hbm>> -> memref<40xi32, #tpu.memory_space<hbm>>
      %dma_wait3A_137 = tpu.memref_slice %arg5[%add3A_135] : memref<160000xi32, #tpu.memory_space<hbm>> -> memref<40xi32, #tpu.memory_space<hbm>>
      tpu.wait_dma2 semaphore(%arg17 : memref<!tpu.dma_semaphore, #tpu.memory_space<semaphore_mem>>) src(%dma_wait3A_137 : memref<40xi32, #tpu.memory_space<hbm>>) dst(%arg15 : memref<40xi32, #tpu.memory_space<vmem>>)
      %scan3A_138 = arith.constant 0 : i32
      %scan3A_139 = arith.constant 0 : i32
      %scan3A_140 = arith.constant 40 : i32
      %scan3A_141 = arith.addi %scan3A_139, %scan3A_140 : i32
      %scan3A_142 = arith.constant 1 : i32
      scf.for %scan3A_146 = %scan3A_139 to %scan3A_141 step %scan3A_142  : i32 {
        %get3A = arith.index_cast %scan3A_146 : i32 to index
        %get3A_147 = arith.constant 0 : index
        %get3A_148 = tpu.vector_load %arg11[%get3A, %get3A_147] {strides = array<i32>} : memref<40x128xf32, #tpu.memory_space<vmem>>, vector<1x16xf32>,
        %get3A_149 = vector.shape_cast %get3A_148 : vector<1x16xf32> to vector<16xf32>
        %get3A_150 = arith.index_cast %scan3A_146 : i32 to index
        %get3A_151 = arith.constant 0 : index
        %get3A_152 = tpu.vector_load %arg13[%get3A_150, %get3A_151] {strides = array<i32>} : memref<40x128xf32, #tpu.memory_space<vmem>>, vector<1x16xf32>,
        %get3A_153 = vector.shape_cast %get3A_152 : vector<1x16xf32> to vector<16xf32>
        %mul3A_154 = arith.mulf %get3A_149, %get3A_153 : vector<16xf32>
        %swap3A = arith.index_cast %scan3A_146 : i32 to index
        %swap3A_155 = arith.constant 0 : index
        %swap3A_156 = tpu.vector_load %arg11[%swap3A, %swap3A_155] {strides = array<i32>} : memref<40x128xf32, #tpu.memory_space<vmem>>, vector<1x16xf32>,
        %swap3A_157 = vector.shape_cast %swap3A_156 : vector<1x16xf32> to vector<16xf32>
        %swap3A_158 = vector.shape_cast %mul3A_154 : vector<16xf32> to vector<1x16xf32>
        tpu.vector_store %arg11[%swap3A, %swap3A_155], %swap3A_158 {strides = array<i32>} : memref<40x128xf32, #tpu.memory_space<vmem>>, vector<1x16xf32>,
        %get3A_159 = arith.index_cast %scan3A_146 : i32 to index
        %get3A_160 = arith.constant 16 : index
        %get3A_161 = tpu.vector_load %arg11[%get3A_159, %get3A_160] {strides = array<i32>} : memref<40x128xf32, #tpu.memory_space<vmem>>, vector<1x16xf32>,
        %get3A_162 = vector.shape_cast %get3A_161 : vector<1x16xf32> to vector<16xf32>
        %get3A_163 = arith.index_cast %scan3A_146 : i32 to index
        %get3A_164 = arith.constant 16 : index
        %get3A_165 = tpu.vector_load %arg13[%get3A_163, %get3A_164] {strides = array<i32>} : memref<40x128xf32, #tpu.memory_space<vmem>>, vector<1x16xf32>,
        %get3A_166 = vector.shape_cast %get3A_165 : vector<1x16xf32> to vector<16xf32>
        %mul3A_167 = arith.mulf %get3A_162, %get3A_166 : vector<16xf32>
        %swap3A_168 = arith.index_cast %scan3A_146 : i32 to index
        %swap3A_169 = arith.constant 16 : index
        %swap3A_170 = tpu.vector_load %arg11[%swap3A_168, %swap3A_169] {strides = array<i32>} : memref<40x128xf32, #tpu.memory_space<vmem>>, vector<1x16xf32>,
        %swap3A_171 = vector.shape_cast %swap3A_170 : vector<1x16xf32> to vector<16xf32>
        %swap3A_172 = vector.shape_cast %mul3A_167 : vector<16xf32> to vector<1x16xf32>
        tpu.vector_store %arg11[%swap3A_168, %swap3A_169], %swap3A_172 {strides = array<i32>} : memref<40x128xf32, #tpu.memory_space<vmem>>, vector<1x16xf32>,
        %get3A_173 = arith.index_cast %scan3A_146 : i32 to index
        %get3A_174 = arith.constant 32 : index
        %get3A_175 = tpu.vector_load %arg11[%get3A_173, %get3A_174] {strides = array<i32>} : memref<40x128xf32, #tpu.memory_space<vmem>>, vector<1x16xf32>,
        %get3A_176 = vector.shape_cast %get3A_175 : vector<1x16xf32> to vector<16xf32>
        %get3A_177 = arith.index_cast %scan3A_146 : i32 to index
        %get3A_178 = arith.constant 32 : index
        %get3A_179 = tpu.vector_load %arg13[%get3A_177, %get3A_178] {strides = array<i32>} : memref<40x128xf32, #tpu.memory_space<vmem>>, vector<1x16xf32>,
        %get3A_180 = vector.shape_cast %get3A_179 : vector<1x16xf32> to vector<16xf32>
        %mul3A_181 = arith.mulf %get3A_176, %get3A_180 : vector<16xf32>
        %swap3A_182 = arith.index_cast %scan3A_146 : i32 to index
        %swap3A_183 = arith.constant 32 : index
        %swap3A_184 = tpu.vector_load %arg11[%swap3A_182, %swap3A_183] {strides = array<i32>} : memref<40x128xf32, #tpu.memory_space<vmem>>, vector<1x16xf32>,
        %swap3A_185 = vector.shape_cast %swap3A_184 : vector<1x16xf32> to vector<16xf32>
        %swap3A_186 = vector.shape_cast %mul3A_181 : vector<16xf32> to vector<1x16xf32>
        tpu.vector_store %arg11[%swap3A_182, %swap3A_183], %swap3A_186 {strides = array<i32>} : memref<40x128xf32, #tpu.memory_space<vmem>>, vector<1x16xf32>,
        %get3A_187 = arith.index_cast %scan3A_146 : i32 to index
        %get3A_188 = arith.constant 48 : index
        %get3A_189 = tpu.vector_load %arg11[%get3A_187, %get3A_188] {strides = array<i32>} : memref<40x128xf32, #tpu.memory_space<vmem>>, vector<1x16xf32>,
        %get3A_190 = vector.shape_cast %get3A_189 : vector<1x16xf32> to vector<16xf32>
        %get3A_191 = arith.index_cast %scan3A_146 : i32 to index
        %get3A_192 = arith.constant 48 : index
        %get3A_193 = tpu.vector_load %arg13[%get3A_191, %get3A_192] {strides = array<i32>} : memref<40x128xf32, #tpu.memory_space<vmem>>, vector<1x16xf32>,
        %get3A_194 = vector.shape_cast %get3A_193 : vector<1x16xf32> to vector<16xf32>
        %mul3A_195 = arith.mulf %get3A_190, %get3A_194 : vector<16xf32>
        %swap3A_196 = arith.index_cast %scan3A_146 : i32 to index
        %swap3A_197 = arith.constant 48 : index
        %swap3A_198 = tpu.vector_load %arg11[%swap3A_196, %swap3A_197] {strides = array<i32>} : memref<40x128xf32, #tpu.memory_space<vmem>>, vector<1x16xf32>,
        %swap3A_199 = vector.shape_cast %swap3A_198 : vector<1x16xf32> to vector<16xf32>
        %swap3A_200 = vector.shape_cast %mul3A_195 : vector<16xf32> to vector<1x16xf32>
        tpu.vector_store %arg11[%swap3A_196, %swap3A_197], %swap3A_200 {strides = array<i32>} : memref<40x128xf32, #tpu.memory_space<vmem>>, vector<1x16xf32>,
        %get3A_201 = arith.index_cast %scan3A_146 : i32 to index
        %get3A_202 = arith.constant 64 : index
        %get3A_203 = tpu.vector_load %arg11[%get3A_201, %get3A_202] {strides = array<i32>} : memref<40x128xf32, #tpu.memory_space<vmem>>, vector<1x16xf32>,
        %get3A_204 = vector.shape_cast %get3A_203 : vector<1x16xf32> to vector<16xf32>
        %get3A_205 = arith.index_cast %scan3A_146 : i32 to index
        %get3A_206 = arith.constant 64 : index
        %get3A_207 = tpu.vector_load %arg13[%get3A_205, %get3A_206] {strides = array<i32>} : memref<40x128xf32, #tpu.memory_space<vmem>>, vector<1x16xf32>,
        %get3A_208 = vector.shape_cast %get3A_207 : vector<1x16xf32> to vector<16xf32>
        %mul3A_209 = arith.mulf %get3A_204, %get3A_208 : vector<16xf32>
        %swap3A_210 = arith.index_cast %scan3A_146 : i32 to index
        %swap3A_211 = arith.constant 64 : index
        %swap3A_212 = tpu.vector_load %arg11[%swap3A_210, %swap3A_211] {strides = array<i32>} : memref<40x128xf32, #tpu.memory_space<vmem>>, vector<1x16xf32>,
        %swap3A_213 = vector.shape_cast %swap3A_212 : vector<1x16xf32> to vector<16xf32>
        %swap3A_214 = vector.shape_cast %mul3A_209 : vector<16xf32> to vector<1x16xf32>
        tpu.vector_store %arg11[%swap3A_210, %swap3A_211], %swap3A_214 {strides = array<i32>} : memref<40x128xf32, #tpu.memory_space<vmem>>, vector<1x16xf32>,
        %get3A_215 = arith.index_cast %scan3A_146 : i32 to index
        %get3A_216 = arith.constant 80 : index
        %get3A_217 = tpu.vector_load %arg11[%get3A_215, %get3A_216] {strides = array<i32>} : memref<40x128xf32, #tpu.memory_space<vmem>>, vector<1x16xf32>,
        %get3A_218 = vector.shape_cast %get3A_217 : vector<1x16xf32> to vector<16xf32>
        %get3A_219 = arith.index_cast %scan3A_146 : i32 to index
        %get3A_220 = arith.constant 80 : index
        %get3A_221 = tpu.vector_load %arg13[%get3A_219, %get3A_220] {strides = array<i32>} : memref<40x128xf32, #tpu.memory_space<vmem>>, vector<1x16xf32>,
        %get3A_222 = vector.shape_cast %get3A_221 : vector<1x16xf32> to vector<16xf32>
        %mul3A_223 = arith.mulf %get3A_218, %get3A_222 : vector<16xf32>
        %swap3A_224 = arith.index_cast %scan3A_146 : i32 to index
        %swap3A_225 = arith.constant 80 : index
        %swap3A_226 = tpu.vector_load %arg11[%swap3A_224, %swap3A_225] {strides = array<i32>} : memref<40x128xf32, #tpu.memory_space<vmem>>, vector<1x16xf32>,
        %swap3A_227 = vector.shape_cast %swap3A_226 : vector<1x16xf32> to vector<16xf32>
        %swap3A_228 = vector.shape_cast %mul3A_223 : vector<16xf32> to vector<1x16xf32>
        tpu.vector_store %arg11[%swap3A_224, %swap3A_225], %swap3A_228 {strides = array<i32>} : memref<40x128xf32, #tpu.memory_space<vmem>>, vector<1x16xf32>,
        %get3A_229 = arith.index_cast %scan3A_146 : i32 to index
        %get3A_230 = arith.constant 96 : index
        %get3A_231 = tpu.vector_load %arg11[%get3A_229, %get3A_230] {strides = array<i32>} : memref<40x128xf32, #tpu.memory_space<vmem>>, vector<1x16xf32>,
        %get3A_232 = vector.shape_cast %get3A_231 : vector<1x16xf32> to vector<16xf32>
        %get3A_233 = arith.index_cast %scan3A_146 : i32 to index
        %get3A_234 = arith.constant 96 : index
        %get3A_235 = tpu.vector_load %arg13[%get3A_233, %get3A_234] {strides = array<i32>} : memref<40x128xf32, #tpu.memory_space<vmem>>, vector<1x16xf32>,
        %get3A_236 = vector.shape_cast %get3A_235 : vector<1x16xf32> to vector<16xf32>
        %mul3A_237 = arith.mulf %get3A_232, %get3A_236 : vector<16xf32>
        %swap3A_238 = arith.index_cast %scan3A_146 : i32 to index
        %swap3A_239 = arith.constant 96 : index
        %swap3A_240 = tpu.vector_load %arg11[%swap3A_238, %swap3A_239] {strides = array<i32>} : memref<40x128xf32, #tpu.memory_space<vmem>>, vector<1x16xf32>,
        %swap3A_241 = vector.shape_cast %swap3A_240 : vector<1x16xf32> to vector<16xf32>
        %swap3A_242 = vector.shape_cast %mul3A_237 : vector<16xf32> to vector<1x16xf32>
        tpu.vector_store %arg11[%swap3A_238, %swap3A_239], %swap3A_242 {strides = array<i32>} : memref<40x128xf32, #tpu.memory_space<vmem>>, vector<1x16xf32>,
        %get3A_243 = arith.index_cast %scan3A_146 : i32 to index
        %get3A_244 = arith.constant 112 : index
        %get3A_245 = tpu.vector_load %arg11[%get3A_243, %get3A_244] {strides = array<i32>} : memref<40x128xf32, #tpu.memory_space<vmem>>, vector<1x16xf32>,
        %get3A_246 = vector.shape_cast %get3A_245 : vector<1x16xf32> to vector<16xf32>
        %get3A_247 = arith.index_cast %scan3A_146 : i32 to index
        %get3A_248 = arith.constant 112 : index
        %get3A_249 = tpu.vector_load %arg13[%get3A_247, %get3A_248] {strides = array<i32>} : memref<40x128xf32, #tpu.memory_space<vmem>>, vector<1x16xf32>,
        %get3A_250 = vector.shape_cast %get3A_249 : vector<1x16xf32> to vector<16xf32>
        %mul3A_251 = arith.mulf %get3A_246, %get3A_250 : vector<16xf32>
        %swap3A_252 = arith.index_cast %scan3A_146 : i32 to index
        %swap3A_253 = arith.constant 112 : index
        %swap3A_254 = tpu.vector_load %arg11[%swap3A_252, %swap3A_253] {strides = array<i32>} : memref<40x128xf32, #tpu.memory_space<vmem>>, vector<1x16xf32>,
        %swap3A_255 = vector.shape_cast %swap3A_254 : vector<1x16xf32> to vector<16xf32>
        %swap3A_256 = vector.shape_cast %mul3A_251 : vector<16xf32> to vector<1x16xf32>
        tpu.vector_store %arg11[%swap3A_252, %swap3A_253], %swap3A_256 {strides = array<i32>} : memref<40x128xf32, #tpu.memory_space<vmem>>, vector<1x16xf32>,
      }
      %scan3A_143 = arith.constant 40 : i32
      "tpu.region"() ({
        %run_scoped3A = tpu.sem_alloc : memref<!tpu.dma_semaphore, #tpu.memory_space<semaphore_mem>>
        %dma_start3A_146 = arith.constant 0 : i32
        %dma_start3A_147 = arith.constant 0 : i32
        %dma_start3A_148 = tpu.memref_slice %arg8[%dma_start3A_146, %dma_start3A_147] : memref<10240x128xf32, #tpu.memory_space<vmem_shared>> -> memref<10240x128xf32, #tpu.memory_space<vmem_shared>>
        tpu.enqueue_indirect_dma source(%arg11 : memref<40x128xf32, #tpu.memory_space<vmem>>) target(%dma_start3A_148 : memref<10240x128xf32, #tpu.memory_space<vmem_shared>>) offsets(%arg15 : memref<40xi32, #tpu.memory_space<vmem>>) semaphore(%run_scoped3A : memref<!tpu.dma_semaphore, #tpu.memory_space<semaphore_mem>>) {add = true}
        %dma_wait3A_149 = arith.constant 0 : i32
        %dma_wait3A_150 = arith.constant 0 : i32
        %dma_wait3A_151 = tpu.memref_slice %arg8[%dma_wait3A_149, %dma_wait3A_150] : memref<10240x128xf32, #tpu.memory_space<vmem_shared>> -> memref<10240x128xf32, #tpu.memory_space<vmem_shared>>
        tpu.wait_indirect_dma semaphore(%run_scoped3A : memref<!tpu.dma_semaphore, #tpu.memory_space<semaphore_mem>>) src(%arg11 : memref<40x128xf32, #tpu.memory_space<vmem>>) dst(%dma_wait3A_151 : memref<10240x128xf32, #tpu.memory_space<vmem_shared>>)
        tpu.yield
      }) : () -> ()
      %lt3A = arith.constant 61 : i32
      %lt3A_144 = arith.cmpi slt, %scan3A_67, %lt3A : i32
      %convert_element_type3A = arith.extui %lt3A_144 : i1 to i32
      %cond3A = arith.constant 0 : i32
      %cond3A_145 = arith.cmpi ne, %convert_element_type3A, %cond3A : i32
      scf.if %cond3A_145 {
        %mul3A_146 = arith.constant 2 : i32
        %mul3A_147 = arith.muli %mul3A_146, %scan3A_67 : i32
        %add3A_148 = arith.constant 3 : i32
        %add3A_149 = arith.addi %mul3A_147, %add3A_148 : i32
        %mul3A_150 = arith.constant 40 : i32
        %mul3A_151 = arith.muli %add3A_149, %mul3A_150 : i32
        %dma_start3A_152 = tpu.memref_slice %arg9[%mul3A_151] : memref<5000xi32, #tpu.memory_space<vmem>> -> memref<40xi32, #tpu.memory_space<vmem>>
        %dma_start3A_153 = arith.constant 0 : i32
        %dma_start3A_154 = arith.constant 0 : i32
        %dma_start3A_155 = tpu.memref_slice %arg2[%dma_start3A_153, %dma_start3A_154] : memref<10000x128xf32, #tpu.memory_space<hbm>> -> memref<10000x128xf32, #tpu.memory_space<hbm>>
        tpu.enqueue_indirect_dma source(%dma_start3A_155 : memref<10000x128xf32, #tpu.memory_space<hbm>>) target(%arg11 : memref<40x128xf32, #tpu.memory_space<vmem>>) offsets(%dma_start3A_152 : memref<40xi32, #tpu.memory_space<vmem>>) semaphore(%arg17 : memref<!tpu.dma_semaphore, #tpu.memory_space<semaphore_mem>>)
        %mul3A_156 = arith.constant 40 : i32
        %mul3A_157 = arith.muli %add3A_149, %mul3A_156 : i32
        %add3A_158 = arith.addi %mul3A_2, %mul3A_157 : i32
        %dma_start3A_159 = arith.constant 0 : i32
        %dma_start3A_160 = tpu.memref_slice %arg3[%add3A_158, %dma_start3A_159] : memref<160000x128xf32, #tpu.memory_space<hbm>> -> memref<40x128xf32, #tpu.memory_space<hbm>>
        %dma_start3A_161 = arith.constant 0 : i32
        %dma_start3A_162 = tpu.memref_slice %arg3[%add3A_158, %dma_start3A_161] : memref<160000x128xf32, #tpu.memory_space<hbm>> -> memref<40x128xf32, #tpu.memory_space<hbm>>
        tpu.enqueue_dma source(%dma_start3A_162 : memref<40x128xf32, #tpu.memory_space<hbm>>) target(%arg13 : memref<40x128xf32, #tpu.memory_space<vmem>>) target_semaphore(%arg17 : memref<!tpu.dma_semaphore, #tpu.memory_space<semaphore_mem>>)
        %mul3A_163 = arith.constant 40 : i32
        %mul3A_164 = arith.muli %add3A_149, %mul3A_163 : i32
        %add3A_165 = arith.addi %mul3A_2, %mul3A_164 : i32
        %dma_start3A_166 = tpu.memref_slice %arg5[%add3A_165] : memref<160000xi32, #tpu.memory_space<hbm>> -> memref<40xi32, #tpu.memory_space<hbm>>
        %dma_start3A_167 = tpu.memref_slice %arg5[%add3A_165] : memref<160000xi32, #tpu.memory_space<hbm>> -> memref<40xi32, #tpu.memory_space<hbm>>
        tpu.enqueue_dma source(%dma_start3A_167 : memref<40xi32, #tpu.memory_space<hbm>>) target(%arg15 : memref<40xi32, #tpu.memory_space<vmem>>) target_semaphore(%arg17 : memref<!tpu.dma_semaphore, #tpu.memory_space<semaphore_mem>>)
      } else {
      }
    }
    %scan3A_38 = arith.constant 62 : i32
    %dma_wait3A = arith.constant 4960 : i32
    %dma_wait3A_39 = tpu.memref_slice %arg9[%dma_wait3A] : memref<5000xi32, #tpu.memory_space<vmem>> -> memref<40xi32, #tpu.memory_space<vmem>>
    %dma_wait3A_40 = arith.constant 0 : i32
    %dma_wait3A_41 = arith.constant 0 : i32
    %dma_wait3A_42 = tpu.memref_slice %arg2[%dma_wait3A_40, %dma_wait3A_41] : memref<10000x128xf32, #tpu.memory_space<hbm>> -> memref<10000x128xf32, #tpu.memory_space<hbm>>
    tpu.wait_indirect_dma semaphore(%arg16 : memref<!tpu.dma_semaphore, #tpu.memory_space<semaphore_mem>>) src(%dma_wait3A_42 : memref<10000x128xf32, #tpu.memory_space<hbm>>) dst(%arg10 : memref<40x128xf32, #tpu.memory_space<vmem>>)
    %add3A_43 = arith.constant 4960 : i32
    %add3A_44 = arith.addi %mul3A_2, %add3A_43 : i32
    %dma_wait3A_45 = arith.constant 0 : i32
    %dma_wait3A_46 = tpu.memref_slice %arg3[%add3A_44, %dma_wait3A_45] : memref<160000x128xf32, #tpu.memory_space<hbm>> -> memref<40x128xf32, #tpu.memory_space<hbm>>
    %dma_wait3A_47 = arith.constant 0 : i32
    %dma_wait3A_48 = tpu.memref_slice %arg3[%add3A_44, %dma_wait3A_47] : memref<160000x128xf32, #tpu.memory_space<hbm>> -> memref<40x128xf32, #tpu.memory_space<hbm>>
    tpu.wait_dma2 semaphore(%arg16 : memref<!tpu.dma_semaphore, #tpu.memory_space<semaphore_mem>>) src(%dma_wait3A_48 : memref<40x128xf32, #tpu.memory_space<hbm>>) dst(%arg12 : memref<40x128xf32, #tpu.memory_space<vmem>>)
    %add3A_49 = arith.constant 4960 : i32
    %add3A_50 = arith.addi %mul3A_2, %add3A_49 : i32
    %dma_wait3A_51 = tpu.memref_slice %arg5[%add3A_50] : memref<160000xi32, #tpu.memory_space<hbm>> -> memref<40xi32, #tpu.memory_space<hbm>>
    %dma_wait3A_52 = tpu.memref_slice %arg5[%add3A_50] : memref<160000xi32, #tpu.memory_space<hbm>> -> memref<40xi32, #tpu.memory_space<hbm>>
    tpu.wait_dma2 semaphore(%arg16 : memref<!tpu.dma_semaphore, #tpu.memory_space<semaphore_mem>>) src(%dma_wait3A_52 : memref<40xi32, #tpu.memory_space<hbm>>) dst(%arg14 : memref<40xi32, #tpu.memory_space<vmem>>)
    %scan3A_53 = arith.constant 0 : i32
    %scan3A_54 = arith.constant 0 : i32
    %scan3A_55 = arith.constant 40 : i32
    %scan3A_56 = arith.addi %scan3A_54, %scan3A_55 : i32
    %scan3A_57 = arith.constant 1 : i32
    scf.for %scan3A_67 = %scan3A_54 to %scan3A_56 step %scan3A_57  : i32 {
      %get3A = arith.index_cast %scan3A_67 : i32 to index
      %get3A_68 = arith.constant 0 : index
      %get3A_69 = tpu.vector_load %arg10[%get3A, %get3A_68] {strides = array<i32>} : memref<40x128xf32, #tpu.memory_space<vmem>>, vector<1x16xf32>,
      %get3A_70 = vector.shape_cast %get3A_69 : vector<1x16xf32> to vector<16xf32>
      %get3A_71 = arith.index_cast %scan3A_67 : i32 to index
      %get3A_72 = arith.constant 0 : index
      %get3A_73 = tpu.vector_load %arg12[%get3A_71, %get3A_72] {strides = array<i32>} : memref<40x128xf32, #tpu.memory_space<vmem>>, vector<1x16xf32>,
      %get3A_74 = vector.shape_cast %get3A_73 : vector<1x16xf32> to vector<16xf32>
      %mul3A_75 = arith.mulf %get3A_70, %get3A_74 : vector<16xf32>
      %swap3A = arith.index_cast %scan3A_67 : i32 to index
      %swap3A_76 = arith.constant 0 : index
      %swap3A_77 = tpu.vector_load %arg10[%swap3A, %swap3A_76] {strides = array<i32>} : memref<40x128xf32, #tpu.memory_space<vmem>>, vector<1x16xf32>,
      %swap3A_78 = vector.shape_cast %swap3A_77 : vector<1x16xf32> to vector<16xf32>
      %swap3A_79 = vector.shape_cast %mul3A_75 : vector<16xf32> to vector<1x16xf32>
      tpu.vector_store %arg10[%swap3A, %swap3A_76], %swap3A_79 {strides = array<i32>} : memref<40x128xf32, #tpu.memory_space<vmem>>, vector<1x16xf32>,
      %get3A_80 = arith.index_cast %scan3A_67 : i32 to index
      %get3A_81 = arith.constant 16 : index
      %get3A_82 = tpu.vector_load %arg10[%get3A_80, %get3A_81] {strides = array<i32>} : memref<40x128xf32, #tpu.memory_space<vmem>>, vector<1x16xf32>,
      %get3A_83 = vector.shape_cast %get3A_82 : vector<1x16xf32> to vector<16xf32>
      %get3A_84 = arith.index_cast %scan3A_67 : i32 to index
      %get3A_85 = arith.constant 16 : index
      %get3A_86 = tpu.vector_load %arg12[%get3A_84, %get3A_85] {strides = array<i32>} : memref<40x128xf32, #tpu.memory_space<vmem>>, vector<1x16xf32>,
      %get3A_87 = vector.shape_cast %get3A_86 : vector<1x16xf32> to vector<16xf32>
      %mul3A_88 = arith.mulf %get3A_83, %get3A_87 : vector<16xf32>
      %swap3A_89 = arith.index_cast %scan3A_67 : i32 to index
      %swap3A_90 = arith.constant 16 : index
      %swap3A_91 = tpu.vector_load %arg10[%swap3A_89, %swap3A_90] {strides = array<i32>} : memref<40x128xf32, #tpu.memory_space<vmem>>, vector<1x16xf32>,
      %swap3A_92 = vector.shape_cast %swap3A_91 : vector<1x16xf32> to vector<16xf32>
      %swap3A_93 = vector.shape_cast %mul3A_88 : vector<16xf32> to vector<1x16xf32>
      tpu.vector_store %arg10[%swap3A_89, %swap3A_90], %swap3A_93 {strides = array<i32>} : memref<40x128xf32, #tpu.memory_space<vmem>>, vector<1x16xf32>,
      %get3A_94 = arith.index_cast %scan3A_67 : i32 to index
      %get3A_95 = arith.constant 32 : index
      %get3A_96 = tpu.vector_load %arg10[%get3A_94, %get3A_95] {strides = array<i32>} : memref<40x128xf32, #tpu.memory_space<vmem>>, vector<1x16xf32>,
      %get3A_97 = vector.shape_cast %get3A_96 : vector<1x16xf32> to vector<16xf32>
      %get3A_98 = arith.index_cast %scan3A_67 : i32 to index
      %get3A_99 = arith.constant 32 : index
      %get3A_100 = tpu.vector_load %arg12[%get3A_98, %get3A_99] {strides = array<i32>} : memref<40x128xf32, #tpu.memory_space<vmem>>, vector<1x16xf32>,
      %get3A_101 = vector.shape_cast %get3A_100 : vector<1x16xf32> to vector<16xf32>
      %mul3A_102 = arith.mulf %get3A_97, %get3A_101 : vector<16xf32>
      %swap3A_103 = arith.index_cast %scan3A_67 : i32 to index
      %swap3A_104 = arith.constant 32 : index
      %swap3A_105 = tpu.vector_load %arg10[%swap3A_103, %swap3A_104] {strides = array<i32>} : memref<40x128xf32, #tpu.memory_space<vmem>>, vector<1x16xf32>,
      %swap3A_106 = vector.shape_cast %swap3A_105 : vector<1x16xf32> to vector<16xf32>
      %swap3A_107 = vector.shape_cast %mul3A_102 : vector<16xf32> to vector<1x16xf32>
      tpu.vector_store %arg10[%swap3A_103, %swap3A_104], %swap3A_107 {strides = array<i32>} : memref<40x128xf32, #tpu.memory_space<vmem>>, vector<1x16xf32>,
      %get3A_108 = arith.index_cast %scan3A_67 : i32 to index
      %get3A_109 = arith.constant 48 : index
      %get3A_110 = tpu.vector_load %arg10[%get3A_108, %get3A_109] {strides = array<i32>} : memref<40x128xf32, #tpu.memory_space<vmem>>, vector<1x16xf32>,
      %get3A_111 = vector.shape_cast %get3A_110 : vector<1x16xf32> to vector<16xf32>
      %get3A_112 = arith.index_cast %scan3A_67 : i32 to index
      %get3A_113 = arith.constant 48 : index
      %get3A_114 = tpu.vector_load %arg12[%get3A_112, %get3A_113] {strides = array<i32>} : memref<40x128xf32, #tpu.memory_space<vmem>>, vector<1x16xf32>,
      %get3A_115 = vector.shape_cast %get3A_114 : vector<1x16xf32> to vector<16xf32>
      %mul3A_116 = arith.mulf %get3A_111, %get3A_115 : vector<16xf32>
      %swap3A_117 = arith.index_cast %scan3A_67 : i32 to index
      %swap3A_118 = arith.constant 48 : index
      %swap3A_119 = tpu.vector_load %arg10[%swap3A_117, %swap3A_118] {strides = array<i32>} : memref<40x128xf32, #tpu.memory_space<vmem>>, vector<1x16xf32>,
      %swap3A_120 = vector.shape_cast %swap3A_119 : vector<1x16xf32> to vector<16xf32>
      %swap3A_121 = vector.shape_cast %mul3A_116 : vector<16xf32> to vector<1x16xf32>
      tpu.vector_store %arg10[%swap3A_117, %swap3A_118], %swap3A_121 {strides = array<i32>} : memref<40x128xf32, #tpu.memory_space<vmem>>, vector<1x16xf32>,
      %get3A_122 = arith.index_cast %scan3A_67 : i32 to index
      %get3A_123 = arith.constant 64 : index
      %get3A_124 = tpu.vector_load %arg10[%get3A_122, %get3A_123] {strides = array<i32>} : memref<40x128xf32, #tpu.memory_space<vmem>>, vector<1x16xf32>,
      %get3A_125 = vector.shape_cast %get3A_124 : vector<1x16xf32> to vector<16xf32>
      %get3A_126 = arith.index_cast %scan3A_67 : i32 to index
      %get3A_127 = arith.constant 64 : index
      %get3A_128 = tpu.vector_load %arg12[%get3A_126, %get3A_127] {strides = array<i32>} : memref<40x128xf32, #tpu.memory_space<vmem>>, vector<1x16xf32>,
      %get3A_129 = vector.shape_cast %get3A_128 : vector<1x16xf32> to vector<16xf32>
      %mul3A_130 = arith.mulf %get3A_125, %get3A_129 : vector<16xf32>
      %swap3A_131 = arith.index_cast %scan3A_67 : i32 to index
      %swap3A_132 = arith.constant 64 : index
      %swap3A_133 = tpu.vector_load %arg10[%swap3A_131, %swap3A_132] {strides = array<i32>} : memref<40x128xf32, #tpu.memory_space<vmem>>, vector<1x16xf32>,
      %swap3A_134 = vector.shape_cast %swap3A_133 : vector<1x16xf32> to vector<16xf32>
      %swap3A_135 = vector.shape_cast %mul3A_130 : vector<16xf32> to vector<1x16xf32>
      tpu.vector_store %arg10[%swap3A_131, %swap3A_132], %swap3A_135 {strides = array<i32>} : memref<40x128xf32, #tpu.memory_space<vmem>>, vector<1x16xf32>,
      %get3A_136 = arith.index_cast %scan3A_67 : i32 to index
      %get3A_137 = arith.constant 80 : index
      %get3A_138 = tpu.vector_load %arg10[%get3A_136, %get3A_137] {strides = array<i32>} : memref<40x128xf32, #tpu.memory_space<vmem>>, vector<1x16xf32>,
      %get3A_139 = vector.shape_cast %get3A_138 : vector<1x16xf32> to vector<16xf32>
      %get3A_140 = arith.index_cast %scan3A_67 : i32 to index
      %get3A_141 = arith.constant 80 : index
      %get3A_142 = tpu.vector_load %arg12[%get3A_140, %get3A_141] {strides = array<i32>} : memref<40x128xf32, #tpu.memory_space<vmem>>, vector<1x16xf32>,
      %get3A_143 = vector.shape_cast %get3A_142 : vector<1x16xf32> to vector<16xf32>
      %mul3A_144 = arith.mulf %get3A_139, %get3A_143 : vector<16xf32>
      %swap3A_145 = arith.index_cast %scan3A_67 : i32 to index
      %swap3A_146 = arith.constant 80 : index
      %swap3A_147 = tpu.vector_load %arg10[%swap3A_145, %swap3A_146] {strides = array<i32>} : memref<40x128xf32, #tpu.memory_space<vmem>>, vector<1x16xf32>,
      %swap3A_148 = vector.shape_cast %swap3A_147 : vector<1x16xf32> to vector<16xf32>
      %swap3A_149 = vector.shape_cast %mul3A_144 : vector<16xf32> to vector<1x16xf32>
      tpu.vector_store %arg10[%swap3A_145, %swap3A_146], %swap3A_149 {strides = array<i32>} : memref<40x128xf32, #tpu.memory_space<vmem>>, vector<1x16xf32>,
      %get3A_150 = arith.index_cast %scan3A_67 : i32 to index
      %get3A_151 = arith.constant 96 : index
      %get3A_152 = tpu.vector_load %arg10[%get3A_150, %get3A_151] {strides = array<i32>} : memref<40x128xf32, #tpu.memory_space<vmem>>, vector<1x16xf32>,
      %get3A_153 = vector.shape_cast %get3A_152 : vector<1x16xf32> to vector<16xf32>
      %get3A_154 = arith.index_cast %scan3A_67 : i32 to index
      %get3A_155 = arith.constant 96 : index
      %get3A_156 = tpu.vector_load %arg12[%get3A_154, %get3A_155] {strides = array<i32>} : memref<40x128xf32, #tpu.memory_space<vmem>>, vector<1x16xf32>,
      %get3A_157 = vector.shape_cast %get3A_156 : vector<1x16xf32> to vector<16xf32>
      %mul3A_158 = arith.mulf %get3A_153, %get3A_157 : vector<16xf32>
      %swap3A_159 = arith.index_cast %scan3A_67 : i32 to index
      %swap3A_160 = arith.constant 96 : index
      %swap3A_161 = tpu.vector_load %arg10[%swap3A_159, %swap3A_160] {strides = array<i32>} : memref<40x128xf32, #tpu.memory_space<vmem>>, vector<1x16xf32>,
      %swap3A_162 = vector.shape_cast %swap3A_161 : vector<1x16xf32> to vector<16xf32>
      %swap3A_163 = vector.shape_cast %mul3A_158 : vector<16xf32> to vector<1x16xf32>
      tpu.vector_store %arg10[%swap3A_159, %swap3A_160], %swap3A_163 {strides = array<i32>} : memref<40x128xf32, #tpu.memory_space<vmem>>, vector<1x16xf32>,
      %get3A_164 = arith.index_cast %scan3A_67 : i32 to index
      %get3A_165 = arith.constant 112 : index
      %get3A_166 = tpu.vector_load %arg10[%get3A_164, %get3A_165] {strides = array<i32>} : memref<40x128xf32, #tpu.memory_space<vmem>>, vector<1x16xf32>,
      %get3A_167 = vector.shape_cast %get3A_166 : vector<1x16xf32> to vector<16xf32>
      %get3A_168 = arith.index_cast %scan3A_67 : i32 to index
      %get3A_169 = arith.constant 112 : index
      %get3A_170 = tpu.vector_load %arg12[%get3A_168, %get3A_169] {strides = array<i32>} : memref<40x128xf32, #tpu.memory_space<vmem>>, vector<1x16xf32>,
      %get3A_171 = vector.shape_cast %get3A_170 : vector<1x16xf32> to vector<16xf32>
      %mul3A_172 = arith.mulf %get3A_167, %get3A_171 : vector<16xf32>
      %swap3A_173 = arith.index_cast %scan3A_67 : i32 to index
      %swap3A_174 = arith.constant 112 : index
      %swap3A_175 = tpu.vector_load %arg10[%swap3A_173, %swap3A_174] {strides = array<i32>} : memref<40x128xf32, #tpu.memory_space<vmem>>, vector<1x16xf32>,
      %swap3A_176 = vector.shape_cast %swap3A_175 : vector<1x16xf32> to vector<16xf32>
      %swap3A_177 = vector.shape_cast %mul3A_172 : vector<16xf32> to vector<1x16xf32>
      tpu.vector_store %arg10[%swap3A_173, %swap3A_174], %swap3A_177 {strides = array<i32>} : memref<40x128xf32, #tpu.memory_space<vmem>>, vector<1x16xf32>,
    }
    %scan3A_58 = arith.constant 40 : i32
    "tpu.region"() ({
      %run_scoped3A = tpu.sem_alloc : memref<!tpu.dma_semaphore, #tpu.memory_space<semaphore_mem>>
      %dma_start3A_67 = arith.constant 0 : i32
      %dma_start3A_68 = arith.constant 0 : i32
      %dma_start3A_69 = tpu.memref_slice %arg8[%dma_start3A_67, %dma_start3A_68] : memref<10240x128xf32, #tpu.memory_space<vmem_shared>> -> memref<10240x128xf32, #tpu.memory_space<vmem_shared>>
      tpu.enqueue_indirect_dma source(%arg10 : memref<40x128xf32, #tpu.memory_space<vmem>>) target(%dma_start3A_69 : memref<10240x128xf32, #tpu.memory_space<vmem_shared>>) offsets(%arg14 : memref<40xi32, #tpu.memory_space<vmem>>) semaphore(%run_scoped3A : memref<!tpu.dma_semaphore, #tpu.memory_space<semaphore_mem>>) {add = true}
      %dma_wait3A_70 = arith.constant 0 : i32
      %dma_wait3A_71 = arith.constant 0 : i32
      %dma_wait3A_72 = tpu.memref_slice %arg8[%dma_wait3A_70, %dma_wait3A_71] : memref<10240x128xf32, #tpu.memory_space<vmem_shared>> -> memref<10240x128xf32, #tpu.memory_space<vmem_shared>>
      tpu.wait_indirect_dma semaphore(%run_scoped3A : memref<!tpu.dma_semaphore, #tpu.memory_space<semaphore_mem>>) src(%arg10 : memref<40x128xf32, #tpu.memory_space<vmem>>) dst(%dma_wait3A_72 : memref<10240x128xf32, #tpu.memory_space<vmem_shared>>)
      tpu.yield
    }) : () -> ()
    %barrier3A_59 = arith.constant 0 : index
    tpu.barrier barrier_id(%barrier3A_59)
    %mul3A_60 = arith.constant 640 : i32
    %mul3A_61 = arith.muli %arg1, %mul3A_60 : i32
    %mul3A_62 = arith.constant 10240 : i32
    %mul3A_63 = arith.muli %arg0, %mul3A_62 : i32
    %mul3A_64 = arith.constant 640 : i32
    %mul3A_65 = arith.muli %arg1, %mul3A_64 : i32
    %add3A_66 = arith.addi %mul3A_63, %mul3A_65 : i32
    "tpu.region"() ({
      %run_scoped3A = tpu.sem_alloc : memref<!tpu.dma_semaphore, #tpu.memory_space<semaphore_mem>>
      %dma_start3A_67 = arith.constant 0 : i32
      %dma_start3A_68 = tpu.memref_slice %arg7[%add3A_66, %dma_start3A_67] : memref<20480x128xf32, #tpu.memory_space<hbm>> -> memref<640x128xf32, #tpu.memory_space<hbm>>
      %dma_start3A_69 = arith.constant 0 : i32
      %dma_start3A_70 = tpu.memref_slice %arg8[%mul3A_61, %dma_start3A_69] : memref<10240x128xf32, #tpu.memory_space<vmem_shared>> -> memref<640x128xf32, #tpu.memory_space<vmem_shared>>
      tpu.enqueue_dma source(%dma_start3A_70 : memref<640x128xf32, #tpu.memory_space<vmem_shared>>) target(%dma_start3A_68 : memref<640x128xf32, #tpu.memory_space<hbm>>) target_semaphore(%run_scoped3A : memref<!tpu.dma_semaphore, #tpu.memory_space<semaphore_mem>>)
      %dma_wait3A_71 = arith.constant 0 : i32
      %dma_wait3A_72 = tpu.memref_slice %arg7[%add3A_66, %dma_wait3A_71] : memref<20480x128xf32, #tpu.memory_space<hbm>> -> memref<640x128xf32, #tpu.memory_space<hbm>>
      %dma_wait3A_73 = arith.constant 0 : i32
      %dma_wait3A_74 = tpu.memref_slice %arg8[%mul3A_61, %dma_wait3A_73] : memref<10240x128xf32, #tpu.memory_space<vmem_shared>> -> memref<640x128xf32, #tpu.memory_space<vmem_shared>>
      tpu.wait_dma2 semaphore(%run_scoped3A : memref<!tpu.dma_semaphore, #tpu.memory_space<semaphore_mem>>) src(%dma_wait3A_74 : memref<640x128xf32, #tpu.memory_space<vmem_shared>>) dst(%dma_wait3A_72 : memref<640x128xf32, #tpu.memory_space<hbm>>)
      tpu.yield
    }) : () -> ()
    return
  }
}

#map = affine_map<(d0, d1) -> (0, 0)>
#map1 = affine_map<(d0, d1) -> (0)>
module attributes {stable_mosaic.version = 14 : i64} {
  func.func @_sc_body(%arg0: i32, %arg1: i32, %arg2: memref<10000x128xf32, #tpu.memory_space<hbm>>, %arg3: memref<160000x128xf32, #tpu.memory_space<hbm>>, %arg4: memref<160000xi32, #tpu.memory_space<hbm>>, %arg5: memref<160000xi32, #tpu.memory_space<hbm>>, %arg6: memref<640x128xf32, #tpu.memory_space<hbm>>, %arg7: memref<20480x128xf32, #tpu.memory_space<hbm>>, %arg8: memref<10240x128xf32, #tpu.memory_space<vmem_shared>>, %arg9: memref<5000xi32, #tpu.memory_space<vmem>>, %arg10: memref<40x128xf32, #tpu.memory_space<vmem>>, %arg11: memref<40x128xf32, #tpu.memory_space<vmem>>, %arg12: memref<40x128xf32, #tpu.memory_space<vmem>>, %arg13: memref<40x128xf32, #tpu.memory_space<vmem>>, %arg14: memref<40xi32, #tpu.memory_space<vmem>>, %arg15: memref<40xi32, #tpu.memory_space<vmem>>, %arg16: memref<!tpu.dma_semaphore, #tpu.memory_space<semaphore_mem>>, %arg17: memref<!tpu.dma_semaphore, #tpu.memory_space<semaphore_mem>>) attributes {dimension_semantics = [#tpu.dimension_semantics<core_parallel>, #tpu.dimension_semantics<subcore_parallel>], iteration_bounds = array<i64: 2, 16>, scalar_prefetch = 0 : i64, scratch_operands = 10 : i64, tpu.core_type = #tpu.core_type<sc_vector_subcore>, window_params = [{transform_indices = #map}, {transform_indices = #map}, {transform_indices = #map1}, {transform_indices = #map1}, {transform_indices = #map}, {transform_indices = #map}]} {
    %mul3A = arith.constant 2 : i32
    %mul3A_0 = arith.muli %arg1, %mul3A : i32
    %add3A = arith.addi %mul3A_0, %arg0 : i32
    %mul3A_1 = arith.constant 5000 : i32
    %mul3A_2 = arith.muli %add3A, %mul3A_1 : i32
    %mul3A_3 = arith.constant 640 : i32
    %mul3A_4 = arith.muli %arg1, %mul3A_3 : i32
    "tpu.region"() ({
      %run_scoped3A = tpu.sem_alloc : memref<!tpu.dma_semaphore, #tpu.memory_space<semaphore_mem>>
      %dma_start3A_67 = arith.constant 0 : i32
      %dma_start3A_68 = tpu.memref_slice %arg8[%mul3A_4, %dma_start3A_67] : memref<10240x128xf32, #tpu.memory_space<vmem_shared>> -> memref<640x128xf32, #tpu.memory_space<vmem_shared>>
      tpu.enqueue_dma source(%arg6 : memref<640x128xf32, #tpu.memory_space<hbm>>) target(%dma_start3A_68 : memref<640x128xf32, #tpu.memory_space<vmem_shared>>) target_semaphore(%run_scoped3A : memref<!tpu.dma_semaphore, #tpu.memory_space<semaphore_mem>>)
      %dma_wait3A_69 = arith.constant 0 : i32
      %dma_wait3A_70 = tpu.memref_slice %arg8[%mul3A_4, %dma_wait3A_69] : memref<10240x128xf32, #tpu.memory_space<vmem_shared>> -> memref<640x128xf32, #tpu.memory_space<vmem_shared>>
      tpu.wait_dma2 semaphore(%run_scoped3A : memref<!tpu.dma_semaphore, #tpu.memory_space<semaphore_mem>>) src(%arg6 : memref<640x128xf32, #tpu.memory_space<hbm>>) dst(%dma_wait3A_70 : memref<640x128xf32, #tpu.memory_space<vmem_shared>>)
      tpu.yield
    }) : () -> ()
    "tpu.region"() ({
      %run_scoped3A = tpu.sem_alloc : memref<!tpu.dma_semaphore, #tpu.memory_space<semaphore_mem>>
      %dma_start3A_67 = tpu.memref_slice %arg4[%mul3A_2] : memref<160000xi32, #tpu.memory_space<hbm>> -> memref<5000xi32, #tpu.memory_space<hbm>>
      %dma_start3A_68 = tpu.memref_slice %arg4[%mul3A_2] : memref<160000xi32, #tpu.memory_space<hbm>> -> memref<5000xi32, #tpu.memory_space<hbm>>
      tpu.enqueue_dma source(%dma_start3A_68 : memref<5000xi32, #tpu.memory_space<hbm>>) target(%arg9 : memref<5000xi32, #tpu.memory_space<vmem>>) target_semaphore(%run_scoped3A : memref<!tpu.dma_semaphore, #tpu.memory_space<semaphore_mem>>)
      %dma_wait3A_69 = tpu.memref_slice %arg4[%mul3A_2] : memref<160000xi32, #tpu.memory_space<hbm>> -> memref<5000xi32, #tpu.memory_space<hbm>>
      %dma_wait3A_70 = tpu.memref_slice %arg4[%mul3A_2] : memref<160000xi32, #tpu.memory_space<hbm>> -> memref<5000xi32, #tpu.memory_space<hbm>>
      tpu.wait_dma2 semaphore(%run_scoped3A : memref<!tpu.dma_semaphore, #tpu.memory_space<semaphore_mem>>) src(%dma_wait3A_70 : memref<5000xi32, #tpu.memory_space<hbm>>) dst(%arg9 : memref<5000xi32, #tpu.memory_space<vmem>>)
      tpu.yield
    }) : () -> ()
    %barrier3A = arith.constant 0 : index
    tpu.barrier barrier_id(%barrier3A)
    %dma_start3A = arith.constant 0 : i32
    %dma_start3A_5 = tpu.memref_slice %arg9[%dma_start3A] : memref<5000xi32, #tpu.memory_space<vmem>> -> memref<40xi32, #tpu.memory_space<vmem>>
    %dma_start3A_6 = arith.constant 0 : i32
    %dma_start3A_7 = arith.constant 0 : i32
    %dma_start3A_8 = tpu.memref_slice %arg2[%dma_start3A_6, %dma_start3A_7] : memref<10000x128xf32, #tpu.memory_space<hbm>> -> memref<10000x128xf32, #tpu.memory_space<hbm>>
    tpu.enqueue_indirect_dma source(%dma_start3A_8 : memref<10000x128xf32, #tpu.memory_space<hbm>>) target(%arg10 : memref<40x128xf32, #tpu.memory_space<vmem>>) offsets(%dma_start3A_5 : memref<40xi32, #tpu.memory_space<vmem>>) semaphore(%arg16 : memref<!tpu.dma_semaphore, #tpu.memory_space<semaphore_mem>>)
    %add3A_9 = arith.constant 0 : i32
    %add3A_10 = arith.addi %mul3A_2, %add3A_9 : i32
    %dma_start3A_11 = arith.constant 0 : i32
    %dma_start3A_12 = tpu.memref_slice %arg3[%add3A_10, %dma_start3A_11] : memref<160000x128xf32, #tpu.memory_space<hbm>> -> memref<40x128xf32, #tpu.memory_space<hbm>>
    %dma_start3A_13 = arith.constant 0 : i32
    %dma_start3A_14 = tpu.memref_slice %arg3[%add3A_10, %dma_start3A_13] : memref<160000x128xf32, #tpu.memory_space<hbm>> -> memref<40x128xf32, #tpu.memory_space<hbm>>
    tpu.enqueue_dma source(%dma_start3A_14 : memref<40x128xf32, #tpu.memory_space<hbm>>) target(%arg12 : memref<40x128xf32, #tpu.memory_space<vmem>>) target_semaphore(%arg16 : memref<!tpu.dma_semaphore, #tpu.memory_space<semaphore_mem>>)
    %add3A_15 = arith.constant 0 : i32
    %add3A_16 = arith.addi %mul3A_2, %add3A_15 : i32
    %dma_start3A_17 = tpu.memref_slice %arg5[%add3A_16] : memref<160000xi32, #tpu.memory_space<hbm>> -> memref<40xi32, #tpu.memory_space<hbm>>
    %dma_start3A_18 = tpu.memref_slice %arg5[%add3A_16] : memref<160000xi32, #tpu.memory_space<hbm>> -> memref<40xi32, #tpu.memory_space<hbm>>
    tpu.enqueue_dma source(%dma_start3A_18 : memref<40xi32, #tpu.memory_space<hbm>>) target(%arg14 : memref<40xi32, #tpu.memory_space<vmem>>) target_semaphore(%arg16 : memref<!tpu.dma_semaphore, #tpu.memory_space<semaphore_mem>>)
    %dma_start3A_19 = arith.constant 40 : i32
    %dma_start3A_20 = tpu.memref_slice %arg9[%dma_start3A_19] : memref<5000xi32, #tpu.memory_space<vmem>> -> memref<40xi32, #tpu.memory_space<vmem>>
    %dma_start3A_21 = arith.constant 0 : i32
    %dma_start3A_22 = arith.constant 0 : i32
    %dma_start3A_23 = tpu.memref_slice %arg2[%dma_start3A_21, %dma_start3A_22] : memref<10000x128xf32, #tpu.memory_space<hbm>> -> memref<10000x128xf32, #tpu.memory_space<hbm>>
    tpu.enqueue_indirect_dma source(%dma_start3A_23 : memref<10000x128xf32, #tpu.memory_space<hbm>>) target(%arg11 : memref<40x128xf32, #tpu.memory_space<vmem>>) offsets(%dma_start3A_20 : memref<40xi32, #tpu.memory_space<vmem>>) semaphore(%arg17 : memref<!tpu.dma_semaphore, #tpu.memory_space<semaphore_mem>>)
    %add3A_24 = arith.constant 40 : i32
    %add3A_25 = arith.addi %mul3A_2, %add3A_24 : i32
    %dma_start3A_26 = arith.constant 0 : i32
    %dma_start3A_27 = tpu.memref_slice %arg3[%add3A_25, %dma_start3A_26] : memref<160000x128xf32, #tpu.memory_space<hbm>> -> memref<40x128xf32, #tpu.memory_space<hbm>>
    %dma_start3A_28 = arith.constant 0 : i32
    %dma_start3A_29 = tpu.memref_slice %arg3[%add3A_25, %dma_start3A_28] : memref<160000x128xf32, #tpu.memory_space<hbm>> -> memref<40x128xf32, #tpu.memory_space<hbm>>
    tpu.enqueue_dma source(%dma_start3A_29 : memref<40x128xf32, #tpu.memory_space<hbm>>) target(%arg13 : memref<40x128xf32, #tpu.memory_space<vmem>>) target_semaphore(%arg17 : memref<!tpu.dma_semaphore, #tpu.memory_space<semaphore_mem>>)
    %add3A_30 = arith.constant 40 : i32
    %add3A_31 = arith.addi %mul3A_2, %add3A_30 : i32
    %dma_start3A_32 = tpu.memref_slice %arg5[%add3A_31] : memref<160000xi32, #tpu.memory_space<hbm>> -> memref<40xi32, #tpu.memory_space<hbm>>
    %dma_start3A_33 = tpu.memref_slice %arg5[%add3A_31] : memref<160000xi32, #tpu.memory_space<hbm>> -> memref<40xi32, #tpu.memory_space<hbm>>
    tpu.enqueue_dma source(%dma_start3A_33 : memref<40xi32, #tpu.memory_space<hbm>>) target(%arg15 : memref<40xi32, #tpu.memory_space<vmem>>) target_semaphore(%arg17 : memref<!tpu.dma_semaphore, #tpu.memory_space<semaphore_mem>>)
    %scan3A = arith.constant 0 : i32
    %scan3A_34 = arith.constant 0 : i32
    %scan3A_35 = arith.constant 62 : i32
    %scan3A_36 = arith.addi %scan3A_34, %scan3A_35 : i32
    %scan3A_37 = arith.constant 1 : i32
    scf.for %scan3A_67 = %scan3A_34 to %scan3A_36 step %scan3A_37  : i32 {
      %mul3A_68 = arith.constant 2 : i32
      %mul3A_69 = arith.muli %mul3A_68, %scan3A_67 : i32
      %mul3A_70 = arith.constant 40 : i32
      %mul3A_71 = arith.muli %mul3A_69, %mul3A_70 : i32
      %dma_wait3A_72 = tpu.memref_slice %arg9[%mul3A_71] : memref<5000xi32, #tpu.memory_space<vmem>> -> memref<40xi32, #tpu.memory_space<vmem>>
      %dma_wait3A_73 = arith.constant 0 : i32
      %dma_wait3A_74 = arith.constant 0 : i32
      %dma_wait3A_75 = tpu.memref_slice %arg2[%dma_wait3A_73, %dma_wait3A_74] : memref<10000x128xf32, #tpu.memory_space<hbm>> -> memref<10000x128xf32, #tpu.memory_space<hbm>>
      tpu.wait_indirect_dma semaphore(%arg16 : memref<!tpu.dma_semaphore, #tpu.memory_space<semaphore_mem>>) src(%dma_wait3A_75 : memref<10000x128xf32, #tpu.memory_space<hbm>>) dst(%arg10 : memref<40x128xf32, #tpu.memory_space<vmem>>)
      %mul3A_76 = arith.constant 40 : i32
      %mul3A_77 = arith.muli %mul3A_69, %mul3A_76 : i32
      %add3A_78 = arith.addi %mul3A_2, %mul3A_77 : i32
      %dma_wait3A_79 = arith.constant 0 : i32
      %dma_wait3A_80 = tpu.memref_slice %arg3[%add3A_78, %dma_wait3A_79] : memref<160000x128xf32, #tpu.memory_space<hbm>> -> memref<40x128xf32, #tpu.memory_space<hbm>>
      %dma_wait3A_81 = arith.constant 0 : i32
      %dma_wait3A_82 = tpu.memref_slice %arg3[%add3A_78, %dma_wait3A_81] : memref<160000x128xf32, #tpu.memory_space<hbm>> -> memref<40x128xf32, #tpu.memory_space<hbm>>
      tpu.wait_dma2 semaphore(%arg16 : memref<!tpu.dma_semaphore, #tpu.memory_space<semaphore_mem>>) src(%dma_wait3A_82 : memref<40x128xf32, #tpu.memory_space<hbm>>) dst(%arg12 : memref<40x128xf32, #tpu.memory_space<vmem>>)
      %mul3A_83 = arith.constant 40 : i32
      %mul3A_84 = arith.muli %mul3A_69, %mul3A_83 : i32
      %add3A_85 = arith.addi %mul3A_2, %mul3A_84 : i32
      %dma_wait3A_86 = tpu.memref_slice %arg5[%add3A_85] : memref<160000xi32, #tpu.memory_space<hbm>> -> memref<40xi32, #tpu.memory_space<hbm>>
      %dma_wait3A_87 = tpu.memref_slice %arg5[%add3A_85] : memref<160000xi32, #tpu.memory_space<hbm>> -> memref<40xi32, #tpu.memory_space<hbm>>
      tpu.wait_dma2 semaphore(%arg16 : memref<!tpu.dma_semaphore, #tpu.memory_space<semaphore_mem>>) src(%dma_wait3A_87 : memref<40xi32, #tpu.memory_space<hbm>>) dst(%arg14 : memref<40xi32, #tpu.memory_space<vmem>>)
      %scan3A_88 = arith.constant 0 : i32
      %scan3A_89 = arith.constant 0 : i32
      %scan3A_90 = arith.constant 40 : i32
      %scan3A_91 = arith.addi %scan3A_89, %scan3A_90 : i32
      %scan3A_92 = arith.constant 1 : i32
      scf.for %scan3A_146 = %scan3A_89 to %scan3A_91 step %scan3A_92  : i32 {
        %get3A = arith.index_cast %scan3A_146 : i32 to index
        %get3A_147 = arith.constant 0 : index
        %get3A_148 = tpu.vector_load %arg10[%get3A, %get3A_147] {strides = array<i32>} : memref<40x128xf32, #tpu.memory_space<vmem>>, vector<1x16xf32>,
        %get3A_149 = vector.shape_cast %get3A_148 : vector<1x16xf32> to vector<16xf32>
        %get3A_150 = arith.index_cast %scan3A_146 : i32 to index
        %get3A_151 = arith.constant 0 : index
        %get3A_152 = tpu.vector_load %arg12[%get3A_150, %get3A_151] {strides = array<i32>} : memref<40x128xf32, #tpu.memory_space<vmem>>, vector<1x16xf32>,
        %get3A_153 = vector.shape_cast %get3A_152 : vector<1x16xf32> to vector<16xf32>
        %mul3A_154 = arith.mulf %get3A_149, %get3A_153 : vector<16xf32>
        %swap3A = arith.index_cast %scan3A_146 : i32 to index
        %swap3A_155 = arith.constant 0 : index
        %swap3A_156 = tpu.vector_load %arg10[%swap3A, %swap3A_155] {strides = array<i32>} : memref<40x128xf32, #tpu.memory_space<vmem>>, vector<1x16xf32>,
        %swap3A_157 = vector.shape_cast %swap3A_156 : vector<1x16xf32> to vector<16xf32>
        %swap3A_158 = vector.shape_cast %mul3A_154 : vector<16xf32> to vector<1x16xf32>
        tpu.vector_store %arg10[%swap3A, %swap3A_155], %swap3A_158 {strides = array<i32>} : memref<40x128xf32, #tpu.memory_space<vmem>>, vector<1x16xf32>,
        %get3A_159 = arith.index_cast %scan3A_146 : i32 to index
        %get3A_160 = arith.constant 16 : index
        %get3A_161 = tpu.vector_load %arg10[%get3A_159, %get3A_160] {strides = array<i32>} : memref<40x128xf32, #tpu.memory_space<vmem>>, vector<1x16xf32>,
        %get3A_162 = vector.shape_cast %get3A_161 : vector<1x16xf32> to vector<16xf32>
        %get3A_163 = arith.index_cast %scan3A_146 : i32 to index
        %get3A_164 = arith.constant 16 : index
        %get3A_165 = tpu.vector_load %arg12[%get3A_163, %get3A_164] {strides = array<i32>} : memref<40x128xf32, #tpu.memory_space<vmem>>, vector<1x16xf32>,
        %get3A_166 = vector.shape_cast %get3A_165 : vector<1x16xf32> to vector<16xf32>
        %mul3A_167 = arith.mulf %get3A_162, %get3A_166 : vector<16xf32>
        %swap3A_168 = arith.index_cast %scan3A_146 : i32 to index
        %swap3A_169 = arith.constant 16 : index
        %swap3A_170 = tpu.vector_load %arg10[%swap3A_168, %swap3A_169] {strides = array<i32>} : memref<40x128xf32, #tpu.memory_space<vmem>>, vector<1x16xf32>,
        %swap3A_171 = vector.shape_cast %swap3A_170 : vector<1x16xf32> to vector<16xf32>
        %swap3A_172 = vector.shape_cast %mul3A_167 : vector<16xf32> to vector<1x16xf32>
        tpu.vector_store %arg10[%swap3A_168, %swap3A_169], %swap3A_172 {strides = array<i32>} : memref<40x128xf32, #tpu.memory_space<vmem>>, vector<1x16xf32>,
        %get3A_173 = arith.index_cast %scan3A_146 : i32 to index
        %get3A_174 = arith.constant 32 : index
        %get3A_175 = tpu.vector_load %arg10[%get3A_173, %get3A_174] {strides = array<i32>} : memref<40x128xf32, #tpu.memory_space<vmem>>, vector<1x16xf32>,
        %get3A_176 = vector.shape_cast %get3A_175 : vector<1x16xf32> to vector<16xf32>
        %get3A_177 = arith.index_cast %scan3A_146 : i32 to index
        %get3A_178 = arith.constant 32 : index
        %get3A_179 = tpu.vector_load %arg12[%get3A_177, %get3A_178] {strides = array<i32>} : memref<40x128xf32, #tpu.memory_space<vmem>>, vector<1x16xf32>,
        %get3A_180 = vector.shape_cast %get3A_179 : vector<1x16xf32> to vector<16xf32>
        %mul3A_181 = arith.mulf %get3A_176, %get3A_180 : vector<16xf32>
        %swap3A_182 = arith.index_cast %scan3A_146 : i32 to index
        %swap3A_183 = arith.constant 32 : index
        %swap3A_184 = tpu.vector_load %arg10[%swap3A_182, %swap3A_183] {strides = array<i32>} : memref<40x128xf32, #tpu.memory_space<vmem>>, vector<1x16xf32>,
        %swap3A_185 = vector.shape_cast %swap3A_184 : vector<1x16xf32> to vector<16xf32>
        %swap3A_186 = vector.shape_cast %mul3A_181 : vector<16xf32> to vector<1x16xf32>
        tpu.vector_store %arg10[%swap3A_182, %swap3A_183], %swap3A_186 {strides = array<i32>} : memref<40x128xf32, #tpu.memory_space<vmem>>, vector<1x16xf32>,
        %get3A_187 = arith.index_cast %scan3A_146 : i32 to index
        %get3A_188 = arith.constant 48 : index
        %get3A_189 = tpu.vector_load %arg10[%get3A_187, %get3A_188] {strides = array<i32>} : memref<40x128xf32, #tpu.memory_space<vmem>>, vector<1x16xf32>,
        %get3A_190 = vector.shape_cast %get3A_189 : vector<1x16xf32> to vector<16xf32>
        %get3A_191 = arith.index_cast %scan3A_146 : i32 to index
        %get3A_192 = arith.constant 48 : index
        %get3A_193 = tpu.vector_load %arg12[%get3A_191, %get3A_192] {strides = array<i32>} : memref<40x128xf32, #tpu.memory_space<vmem>>, vector<1x16xf32>,
        %get3A_194 = vector.shape_cast %get3A_193 : vector<1x16xf32> to vector<16xf32>
        %mul3A_195 = arith.mulf %get3A_190, %get3A_194 : vector<16xf32>
        %swap3A_196 = arith.index_cast %scan3A_146 : i32 to index
        %swap3A_197 = arith.constant 48 : index
        %swap3A_198 = tpu.vector_load %arg10[%swap3A_196, %swap3A_197] {strides = array<i32>} : memref<40x128xf32, #tpu.memory_space<vmem>>, vector<1x16xf32>,
        %swap3A_199 = vector.shape_cast %swap3A_198 : vector<1x16xf32> to vector<16xf32>
        %swap3A_200 = vector.shape_cast %mul3A_195 : vector<16xf32> to vector<1x16xf32>
        tpu.vector_store %arg10[%swap3A_196, %swap3A_197], %swap3A_200 {strides = array<i32>} : memref<40x128xf32, #tpu.memory_space<vmem>>, vector<1x16xf32>,
        %get3A_201 = arith.index_cast %scan3A_146 : i32 to index
        %get3A_202 = arith.constant 64 : index
        %get3A_203 = tpu.vector_load %arg10[%get3A_201, %get3A_202] {strides = array<i32>} : memref<40x128xf32, #tpu.memory_space<vmem>>, vector<1x16xf32>,
        %get3A_204 = vector.shape_cast %get3A_203 : vector<1x16xf32> to vector<16xf32>
        %get3A_205 = arith.index_cast %scan3A_146 : i32 to index
        %get3A_206 = arith.constant 64 : index
        %get3A_207 = tpu.vector_load %arg12[%get3A_205, %get3A_206] {strides = array<i32>} : memref<40x128xf32, #tpu.memory_space<vmem>>, vector<1x16xf32>,
        %get3A_208 = vector.shape_cast %get3A_207 : vector<1x16xf32> to vector<16xf32>
        %mul3A_209 = arith.mulf %get3A_204, %get3A_208 : vector<16xf32>
        %swap3A_210 = arith.index_cast %scan3A_146 : i32 to index
        %swap3A_211 = arith.constant 64 : index
        %swap3A_212 = tpu.vector_load %arg10[%swap3A_210, %swap3A_211] {strides = array<i32>} : memref<40x128xf32, #tpu.memory_space<vmem>>, vector<1x16xf32>,
        %swap3A_213 = vector.shape_cast %swap3A_212 : vector<1x16xf32> to vector<16xf32>
        %swap3A_214 = vector.shape_cast %mul3A_209 : vector<16xf32> to vector<1x16xf32>
        tpu.vector_store %arg10[%swap3A_210, %swap3A_211], %swap3A_214 {strides = array<i32>} : memref<40x128xf32, #tpu.memory_space<vmem>>, vector<1x16xf32>,
        %get3A_215 = arith.index_cast %scan3A_146 : i32 to index
        %get3A_216 = arith.constant 80 : index
        %get3A_217 = tpu.vector_load %arg10[%get3A_215, %get3A_216] {strides = array<i32>} : memref<40x128xf32, #tpu.memory_space<vmem>>, vector<1x16xf32>,
        %get3A_218 = vector.shape_cast %get3A_217 : vector<1x16xf32> to vector<16xf32>
        %get3A_219 = arith.index_cast %scan3A_146 : i32 to index
        %get3A_220 = arith.constant 80 : index
        %get3A_221 = tpu.vector_load %arg12[%get3A_219, %get3A_220] {strides = array<i32>} : memref<40x128xf32, #tpu.memory_space<vmem>>, vector<1x16xf32>,
        %get3A_222 = vector.shape_cast %get3A_221 : vector<1x16xf32> to vector<16xf32>
        %mul3A_223 = arith.mulf %get3A_218, %get3A_222 : vector<16xf32>
        %swap3A_224 = arith.index_cast %scan3A_146 : i32 to index
        %swap3A_225 = arith.constant 80 : index
        %swap3A_226 = tpu.vector_load %arg10[%swap3A_224, %swap3A_225] {strides = array<i32>} : memref<40x128xf32, #tpu.memory_space<vmem>>, vector<1x16xf32>,
        %swap3A_227 = vector.shape_cast %swap3A_226 : vector<1x16xf32> to vector<16xf32>
        %swap3A_228 = vector.shape_cast %mul3A_223 : vector<16xf32> to vector<1x16xf32>
        tpu.vector_store %arg10[%swap3A_224, %swap3A_225], %swap3A_228 {strides = array<i32>} : memref<40x128xf32, #tpu.memory_space<vmem>>, vector<1x16xf32>,
        %get3A_229 = arith.index_cast %scan3A_146 : i32 to index
        %get3A_230 = arith.constant 96 : index
        %get3A_231 = tpu.vector_load %arg10[%get3A_229, %get3A_230] {strides = array<i32>} : memref<40x128xf32, #tpu.memory_space<vmem>>, vector<1x16xf32>,
        %get3A_232 = vector.shape_cast %get3A_231 : vector<1x16xf32> to vector<16xf32>
        %get3A_233 = arith.index_cast %scan3A_146 : i32 to index
        %get3A_234 = arith.constant 96 : index
        %get3A_235 = tpu.vector_load %arg12[%get3A_233, %get3A_234] {strides = array<i32>} : memref<40x128xf32, #tpu.memory_space<vmem>>, vector<1x16xf32>,
        %get3A_236 = vector.shape_cast %get3A_235 : vector<1x16xf32> to vector<16xf32>
        %mul3A_237 = arith.mulf %get3A_232, %get3A_236 : vector<16xf32>
        %swap3A_238 = arith.index_cast %scan3A_146 : i32 to index
        %swap3A_239 = arith.constant 96 : index
        %swap3A_240 = tpu.vector_load %arg10[%swap3A_238, %swap3A_239] {strides = array<i32>} : memref<40x128xf32, #tpu.memory_space<vmem>>, vector<1x16xf32>,
        %swap3A_241 = vector.shape_cast %swap3A_240 : vector<1x16xf32> to vector<16xf32>
        %swap3A_242 = vector.shape_cast %mul3A_237 : vector<16xf32> to vector<1x16xf32>
        tpu.vector_store %arg10[%swap3A_238, %swap3A_239], %swap3A_242 {strides = array<i32>} : memref<40x128xf32, #tpu.memory_space<vmem>>, vector<1x16xf32>,
        %get3A_243 = arith.index_cast %scan3A_146 : i32 to index
        %get3A_244 = arith.constant 112 : index
        %get3A_245 = tpu.vector_load %arg10[%get3A_243, %get3A_244] {strides = array<i32>} : memref<40x128xf32, #tpu.memory_space<vmem>>, vector<1x16xf32>,
        %get3A_246 = vector.shape_cast %get3A_245 : vector<1x16xf32> to vector<16xf32>
        %get3A_247 = arith.index_cast %scan3A_146 : i32 to index
        %get3A_248 = arith.constant 112 : index
        %get3A_249 = tpu.vector_load %arg12[%get3A_247, %get3A_248] {strides = array<i32>} : memref<40x128xf32, #tpu.memory_space<vmem>>, vector<1x16xf32>,
        %get3A_250 = vector.shape_cast %get3A_249 : vector<1x16xf32> to vector<16xf32>
        %mul3A_251 = arith.mulf %get3A_246, %get3A_250 : vector<16xf32>
        %swap3A_252 = arith.index_cast %scan3A_146 : i32 to index
        %swap3A_253 = arith.constant 112 : index
        %swap3A_254 = tpu.vector_load %arg10[%swap3A_252, %swap3A_253] {strides = array<i32>} : memref<40x128xf32, #tpu.memory_space<vmem>>, vector<1x16xf32>,
        %swap3A_255 = vector.shape_cast %swap3A_254 : vector<1x16xf32> to vector<16xf32>
        %swap3A_256 = vector.shape_cast %mul3A_251 : vector<16xf32> to vector<1x16xf32>
        tpu.vector_store %arg10[%swap3A_252, %swap3A_253], %swap3A_256 {strides = array<i32>} : memref<40x128xf32, #tpu.memory_space<vmem>>, vector<1x16xf32>,
      }
      %scan3A_93 = arith.constant 40 : i32
      "tpu.region"() ({
        %run_scoped3A = tpu.sem_alloc : memref<!tpu.dma_semaphore, #tpu.memory_space<semaphore_mem>>
        %dma_start3A_146 = arith.constant 0 : i32
        %dma_start3A_147 = arith.constant 0 : i32
        %dma_start3A_148 = tpu.memref_slice %arg8[%dma_start3A_146, %dma_start3A_147] : memref<10240x128xf32, #tpu.memory_space<vmem_shared>> -> memref<10240x128xf32, #tpu.memory_space<vmem_shared>>
        tpu.enqueue_indirect_dma source(%arg10 : memref<40x128xf32, #tpu.memory_space<vmem>>) target(%dma_start3A_148 : memref<10240x128xf32, #tpu.memory_space<vmem_shared>>) offsets(%arg14 : memref<40xi32, #tpu.memory_space<vmem>>) semaphore(%run_scoped3A : memref<!tpu.dma_semaphore, #tpu.memory_space<semaphore_mem>>) {add = true}
        %dma_wait3A_149 = arith.constant 0 : i32
        %dma_wait3A_150 = arith.constant 0 : i32
        %dma_wait3A_151 = tpu.memref_slice %arg8[%dma_wait3A_149, %dma_wait3A_150] : memref<10240x128xf32, #tpu.memory_space<vmem_shared>> -> memref<10240x128xf32, #tpu.memory_space<vmem_shared>>
        tpu.wait_indirect_dma semaphore(%run_scoped3A : memref<!tpu.dma_semaphore, #tpu.memory_space<semaphore_mem>>) src(%arg10 : memref<40x128xf32, #tpu.memory_space<vmem>>) dst(%dma_wait3A_151 : memref<10240x128xf32, #tpu.memory_space<vmem_shared>>)
        tpu.yield
      }) : () -> ()
      %mul3A_94 = arith.constant 2 : i32
      %mul3A_95 = arith.muli %mul3A_94, %scan3A_67 : i32
      %add3A_96 = arith.constant 2 : i32
      %add3A_97 = arith.addi %mul3A_95, %add3A_96 : i32
      %mul3A_98 = arith.constant 40 : i32
      %mul3A_99 = arith.muli %add3A_97, %mul3A_98 : i32
      %dma_start3A_100 = tpu.memref_slice %arg9[%mul3A_99] : memref<5000xi32, #tpu.memory_space<vmem>> -> memref<40xi32, #tpu.memory_space<vmem>>
      %dma_start3A_101 = arith.constant 0 : i32
      %dma_start3A_102 = arith.constant 0 : i32
      %dma_start3A_103 = tpu.memref_slice %arg2[%dma_start3A_101, %dma_start3A_102] : memref<10000x128xf32, #tpu.memory_space<hbm>> -> memref<10000x128xf32, #tpu.memory_space<hbm>>
      tpu.enqueue_indirect_dma source(%dma_start3A_103 : memref<10000x128xf32, #tpu.memory_space<hbm>>) target(%arg10 : memref<40x128xf32, #tpu.memory_space<vmem>>) offsets(%dma_start3A_100 : memref<40xi32, #tpu.memory_space<vmem>>) semaphore(%arg16 : memref<!tpu.dma_semaphore, #tpu.memory_space<semaphore_mem>>)
      %mul3A_104 = arith.constant 40 : i32
      %mul3A_105 = arith.muli %add3A_97, %mul3A_104 : i32
      %add3A_106 = arith.addi %mul3A_2, %mul3A_105 : i32
      %dma_start3A_107 = arith.constant 0 : i32
      %dma_start3A_108 = tpu.memref_slice %arg3[%add3A_106, %dma_start3A_107] : memref<160000x128xf32, #tpu.memory_space<hbm>> -> memref<40x128xf32, #tpu.memory_space<hbm>>
      %dma_start3A_109 = arith.constant 0 : i32
      %dma_start3A_110 = tpu.memref_slice %arg3[%add3A_106, %dma_start3A_109] : memref<160000x128xf32, #tpu.memory_space<hbm>> -> memref<40x128xf32, #tpu.memory_space<hbm>>
      tpu.enqueue_dma source(%dma_start3A_110 : memref<40x128xf32, #tpu.memory_space<hbm>>) target(%arg12 : memref<40x128xf32, #tpu.memory_space<vmem>>) target_semaphore(%arg16 : memref<!tpu.dma_semaphore, #tpu.memory_space<semaphore_mem>>)
      %mul3A_111 = arith.constant 40 : i32
      %mul3A_112 = arith.muli %add3A_97, %mul3A_111 : i32
      %add3A_113 = arith.addi %mul3A_2, %mul3A_112 : i32
      %dma_start3A_114 = tpu.memref_slice %arg5[%add3A_113] : memref<160000xi32, #tpu.memory_space<hbm>> -> memref<40xi32, #tpu.memory_space<hbm>>
      %dma_start3A_115 = tpu.memref_slice %arg5[%add3A_113] : memref<160000xi32, #tpu.memory_space<hbm>> -> memref<40xi32, #tpu.memory_space<hbm>>
      tpu.enqueue_dma source(%dma_start3A_115 : memref<40xi32, #tpu.memory_space<hbm>>) target(%arg14 : memref<40xi32, #tpu.memory_space<vmem>>) target_semaphore(%arg16 : memref<!tpu.dma_semaphore, #tpu.memory_space<semaphore_mem>>)
      %mul3A_116 = arith.constant 2 : i32
      %mul3A_117 = arith.muli %mul3A_116, %scan3A_67 : i32
      %add3A_118 = arith.constant 1 : i32
      %add3A_119 = arith.addi %mul3A_117, %add3A_118 : i32
      %mul3A_120 = arith.constant 40 : i32
      %mul3A_121 = arith.muli %add3A_119, %mul3A_120 : i32
      %dma_wait3A_122 = tpu.memref_slice %arg9[%mul3A_121] : memref<5000xi32, #tpu.memory_space<vmem>> -> memref<40xi32, #tpu.memory_space<vmem>>
      %dma_wait3A_123 = arith.constant 0 : i32
      %dma_wait3A_124 = arith.constant 0 : i32
      %dma_wait3A_125 = tpu.memref_slice %arg2[%dma_wait3A_123, %dma_wait3A_124] : memref<10000x128xf32, #tpu.memory_space<hbm>> -> memref<10000x128xf32, #tpu.memory_space<hbm>>
      tpu.wait_indirect_dma semaphore(%arg17 : memref<!tpu.dma_semaphore, #tpu.memory_space<semaphore_mem>>) src(%dma_wait3A_125 : memref<10000x128xf32, #tpu.memory_space<hbm>>) dst(%arg11 : memref<40x128xf32, #tpu.memory_space<vmem>>)
      %mul3A_126 = arith.constant 40 : i32
      %mul3A_127 = arith.muli %add3A_119, %mul3A_126 : i32
      %add3A_128 = arith.addi %mul3A_2, %mul3A_127 : i32
      %dma_wait3A_129 = arith.constant 0 : i32
      %dma_wait3A_130 = tpu.memref_slice %arg3[%add3A_128, %dma_wait3A_129] : memref<160000x128xf32, #tpu.memory_space<hbm>> -> memref<40x128xf32, #tpu.memory_space<hbm>>
      %dma_wait3A_131 = arith.constant 0 : i32
      %dma_wait3A_132 = tpu.memref_slice %arg3[%add3A_128, %dma_wait3A_131] : memref<160000x128xf32, #tpu.memory_space<hbm>> -> memref<40x128xf32, #tpu.memory_space<hbm>>
      tpu.wait_dma2 semaphore(%arg17 : memref<!tpu.dma_semaphore, #tpu.memory_space<semaphore_mem>>) src(%dma_wait3A_132 : memref<40x128xf32, #tpu.memory_space<hbm>>) dst(%arg13 : memref<40x128xf32, #tpu.memory_space<vmem>>)
      %mul3A_133 = arith.constant 40 : i32
      %mul3A_134 = arith.muli %add3A_119, %mul3A_133 : i32
      %add3A_135 = arith.addi %mul3A_2, %mul3A_134 : i32
      %dma_wait3A_136 = tpu.memref_slice %arg5[%add3A_135] : memref<160000xi32, #tpu.memory_space<hbm>> -> memref<40xi32, #tpu.memory_space<hbm>>
      %dma_wait3A_137 = tpu.memref_slice %arg5[%add3A_135] : memref<160000xi32, #tpu.memory_space<hbm>> -> memref<40xi32, #tpu.memory_space<hbm>>
      tpu.wait_dma2 semaphore(%arg17 : memref<!tpu.dma_semaphore, #tpu.memory_space<semaphore_mem>>) src(%dma_wait3A_137 : memref<40xi32, #tpu.memory_space<hbm>>) dst(%arg15 : memref<40xi32, #tpu.memory_space<vmem>>)
      %scan3A_138 = arith.constant 0 : i32
      %scan3A_139 = arith.constant 0 : i32
      %scan3A_140 = arith.constant 40 : i32
      %scan3A_141 = arith.addi %scan3A_139, %scan3A_140 : i32
      %scan3A_142 = arith.constant 1 : i32
      scf.for %scan3A_146 = %scan3A_139 to %scan3A_141 step %scan3A_142  : i32 {
        %get3A = arith.index_cast %scan3A_146 : i32 to index
        %get3A_147 = arith.constant 0 : index
        %get3A_148 = tpu.vector_load %arg11[%get3A, %get3A_147] {strides = array<i32>} : memref<40x128xf32, #tpu.memory_space<vmem>>, vector<1x16xf32>,
        %get3A_149 = vector.shape_cast %get3A_148 : vector<1x16xf32> to vector<16xf32>
        %get3A_150 = arith.index_cast %scan3A_146 : i32 to index
        %get3A_151 = arith.constant 0 : index
        %get3A_152 = tpu.vector_load %arg13[%get3A_150, %get3A_151] {strides = array<i32>} : memref<40x128xf32, #tpu.memory_space<vmem>>, vector<1x16xf32>,
        %get3A_153 = vector.shape_cast %get3A_152 : vector<1x16xf32> to vector<16xf32>
        %mul3A_154 = arith.mulf %get3A_149, %get3A_153 : vector<16xf32>
        %swap3A = arith.index_cast %scan3A_146 : i32 to index
        %swap3A_155 = arith.constant 0 : index
        %swap3A_156 = tpu.vector_load %arg11[%swap3A, %swap3A_155] {strides = array<i32>} : memref<40x128xf32, #tpu.memory_space<vmem>>, vector<1x16xf32>,
        %swap3A_157 = vector.shape_cast %swap3A_156 : vector<1x16xf32> to vector<16xf32>
        %swap3A_158 = vector.shape_cast %mul3A_154 : vector<16xf32> to vector<1x16xf32>
        tpu.vector_store %arg11[%swap3A, %swap3A_155], %swap3A_158 {strides = array<i32>} : memref<40x128xf32, #tpu.memory_space<vmem>>, vector<1x16xf32>,
        %get3A_159 = arith.index_cast %scan3A_146 : i32 to index
        %get3A_160 = arith.constant 16 : index
        %get3A_161 = tpu.vector_load %arg11[%get3A_159, %get3A_160] {strides = array<i32>} : memref<40x128xf32, #tpu.memory_space<vmem>>, vector<1x16xf32>,
        %get3A_162 = vector.shape_cast %get3A_161 : vector<1x16xf32> to vector<16xf32>
        %get3A_163 = arith.index_cast %scan3A_146 : i32 to index
        %get3A_164 = arith.constant 16 : index
        %get3A_165 = tpu.vector_load %arg13[%get3A_163, %get3A_164] {strides = array<i32>} : memref<40x128xf32, #tpu.memory_space<vmem>>, vector<1x16xf32>,
        %get3A_166 = vector.shape_cast %get3A_165 : vector<1x16xf32> to vector<16xf32>
        %mul3A_167 = arith.mulf %get3A_162, %get3A_166 : vector<16xf32>
        %swap3A_168 = arith.index_cast %scan3A_146 : i32 to index
        %swap3A_169 = arith.constant 16 : index
        %swap3A_170 = tpu.vector_load %arg11[%swap3A_168, %swap3A_169] {strides = array<i32>} : memref<40x128xf32, #tpu.memory_space<vmem>>, vector<1x16xf32>,
        %swap3A_171 = vector.shape_cast %swap3A_170 : vector<1x16xf32> to vector<16xf32>
        %swap3A_172 = vector.shape_cast %mul3A_167 : vector<16xf32> to vector<1x16xf32>
        tpu.vector_store %arg11[%swap3A_168, %swap3A_169], %swap3A_172 {strides = array<i32>} : memref<40x128xf32, #tpu.memory_space<vmem>>, vector<1x16xf32>,
        %get3A_173 = arith.index_cast %scan3A_146 : i32 to index
        %get3A_174 = arith.constant 32 : index
        %get3A_175 = tpu.vector_load %arg11[%get3A_173, %get3A_174] {strides = array<i32>} : memref<40x128xf32, #tpu.memory_space<vmem>>, vector<1x16xf32>,
        %get3A_176 = vector.shape_cast %get3A_175 : vector<1x16xf32> to vector<16xf32>
        %get3A_177 = arith.index_cast %scan3A_146 : i32 to index
        %get3A_178 = arith.constant 32 : index
        %get3A_179 = tpu.vector_load %arg13[%get3A_177, %get3A_178] {strides = array<i32>} : memref<40x128xf32, #tpu.memory_space<vmem>>, vector<1x16xf32>,
        %get3A_180 = vector.shape_cast %get3A_179 : vector<1x16xf32> to vector<16xf32>
        %mul3A_181 = arith.mulf %get3A_176, %get3A_180 : vector<16xf32>
        %swap3A_182 = arith.index_cast %scan3A_146 : i32 to index
        %swap3A_183 = arith.constant 32 : index
        %swap3A_184 = tpu.vector_load %arg11[%swap3A_182, %swap3A_183] {strides = array<i32>} : memref<40x128xf32, #tpu.memory_space<vmem>>, vector<1x16xf32>,
        %swap3A_185 = vector.shape_cast %swap3A_184 : vector<1x16xf32> to vector<16xf32>
        %swap3A_186 = vector.shape_cast %mul3A_181 : vector<16xf32> to vector<1x16xf32>
        tpu.vector_store %arg11[%swap3A_182, %swap3A_183], %swap3A_186 {strides = array<i32>} : memref<40x128xf32, #tpu.memory_space<vmem>>, vector<1x16xf32>,
        %get3A_187 = arith.index_cast %scan3A_146 : i32 to index
        %get3A_188 = arith.constant 48 : index
        %get3A_189 = tpu.vector_load %arg11[%get3A_187, %get3A_188] {strides = array<i32>} : memref<40x128xf32, #tpu.memory_space<vmem>>, vector<1x16xf32>,
        %get3A_190 = vector.shape_cast %get3A_189 : vector<1x16xf32> to vector<16xf32>
        %get3A_191 = arith.index_cast %scan3A_146 : i32 to index
        %get3A_192 = arith.constant 48 : index
        %get3A_193 = tpu.vector_load %arg13[%get3A_191, %get3A_192] {strides = array<i32>} : memref<40x128xf32, #tpu.memory_space<vmem>>, vector<1x16xf32>,
        %get3A_194 = vector.shape_cast %get3A_193 : vector<1x16xf32> to vector<16xf32>
        %mul3A_195 = arith.mulf %get3A_190, %get3A_194 : vector<16xf32>
        %swap3A_196 = arith.index_cast %scan3A_146 : i32 to index
        %swap3A_197 = arith.constant 48 : index
        %swap3A_198 = tpu.vector_load %arg11[%swap3A_196, %swap3A_197] {strides = array<i32>} : memref<40x128xf32, #tpu.memory_space<vmem>>, vector<1x16xf32>,
        %swap3A_199 = vector.shape_cast %swap3A_198 : vector<1x16xf32> to vector<16xf32>
        %swap3A_200 = vector.shape_cast %mul3A_195 : vector<16xf32> to vector<1x16xf32>
        tpu.vector_store %arg11[%swap3A_196, %swap3A_197], %swap3A_200 {strides = array<i32>} : memref<40x128xf32, #tpu.memory_space<vmem>>, vector<1x16xf32>,
        %get3A_201 = arith.index_cast %scan3A_146 : i32 to index
        %get3A_202 = arith.constant 64 : index
        %get3A_203 = tpu.vector_load %arg11[%get3A_201, %get3A_202] {strides = array<i32>} : memref<40x128xf32, #tpu.memory_space<vmem>>, vector<1x16xf32>,
        %get3A_204 = vector.shape_cast %get3A_203 : vector<1x16xf32> to vector<16xf32>
        %get3A_205 = arith.index_cast %scan3A_146 : i32 to index
        %get3A_206 = arith.constant 64 : index
        %get3A_207 = tpu.vector_load %arg13[%get3A_205, %get3A_206] {strides = array<i32>} : memref<40x128xf32, #tpu.memory_space<vmem>>, vector<1x16xf32>,
        %get3A_208 = vector.shape_cast %get3A_207 : vector<1x16xf32> to vector<16xf32>
        %mul3A_209 = arith.mulf %get3A_204, %get3A_208 : vector<16xf32>
        %swap3A_210 = arith.index_cast %scan3A_146 : i32 to index
        %swap3A_211 = arith.constant 64 : index
        %swap3A_212 = tpu.vector_load %arg11[%swap3A_210, %swap3A_211] {strides = array<i32>} : memref<40x128xf32, #tpu.memory_space<vmem>>, vector<1x16xf32>,
        %swap3A_213 = vector.shape_cast %swap3A_212 : vector<1x16xf32> to vector<16xf32>
        %swap3A_214 = vector.shape_cast %mul3A_209 : vector<16xf32> to vector<1x16xf32>
        tpu.vector_store %arg11[%swap3A_210, %swap3A_211], %swap3A_214 {strides = array<i32>} : memref<40x128xf32, #tpu.memory_space<vmem>>, vector<1x16xf32>,
        %get3A_215 = arith.index_cast %scan3A_146 : i32 to index
        %get3A_216 = arith.constant 80 : index
        %get3A_217 = tpu.vector_load %arg11[%get3A_215, %get3A_216] {strides = array<i32>} : memref<40x128xf32, #tpu.memory_space<vmem>>, vector<1x16xf32>,
        %get3A_218 = vector.shape_cast %get3A_217 : vector<1x16xf32> to vector<16xf32>
        %get3A_219 = arith.index_cast %scan3A_146 : i32 to index
        %get3A_220 = arith.constant 80 : index
        %get3A_221 = tpu.vector_load %arg13[%get3A_219, %get3A_220] {strides = array<i32>} : memref<40x128xf32, #tpu.memory_space<vmem>>, vector<1x16xf32>,
        %get3A_222 = vector.shape_cast %get3A_221 : vector<1x16xf32> to vector<16xf32>
        %mul3A_223 = arith.mulf %get3A_218, %get3A_222 : vector<16xf32>
        %swap3A_224 = arith.index_cast %scan3A_146 : i32 to index
        %swap3A_225 = arith.constant 80 : index
        %swap3A_226 = tpu.vector_load %arg11[%swap3A_224, %swap3A_225] {strides = array<i32>} : memref<40x128xf32, #tpu.memory_space<vmem>>, vector<1x16xf32>,
        %swap3A_227 = vector.shape_cast %swap3A_226 : vector<1x16xf32> to vector<16xf32>
        %swap3A_228 = vector.shape_cast %mul3A_223 : vector<16xf32> to vector<1x16xf32>
        tpu.vector_store %arg11[%swap3A_224, %swap3A_225], %swap3A_228 {strides = array<i32>} : memref<40x128xf32, #tpu.memory_space<vmem>>, vector<1x16xf32>,
        %get3A_229 = arith.index_cast %scan3A_146 : i32 to index
        %get3A_230 = arith.constant 96 : index
        %get3A_231 = tpu.vector_load %arg11[%get3A_229, %get3A_230] {strides = array<i32>} : memref<40x128xf32, #tpu.memory_space<vmem>>, vector<1x16xf32>,
        %get3A_232 = vector.shape_cast %get3A_231 : vector<1x16xf32> to vector<16xf32>
        %get3A_233 = arith.index_cast %scan3A_146 : i32 to index
        %get3A_234 = arith.constant 96 : index
        %get3A_235 = tpu.vector_load %arg13[%get3A_233, %get3A_234] {strides = array<i32>} : memref<40x128xf32, #tpu.memory_space<vmem>>, vector<1x16xf32>,
        %get3A_236 = vector.shape_cast %get3A_235 : vector<1x16xf32> to vector<16xf32>
        %mul3A_237 = arith.mulf %get3A_232, %get3A_236 : vector<16xf32>
        %swap3A_238 = arith.index_cast %scan3A_146 : i32 to index
        %swap3A_239 = arith.constant 96 : index
        %swap3A_240 = tpu.vector_load %arg11[%swap3A_238, %swap3A_239] {strides = array<i32>} : memref<40x128xf32, #tpu.memory_space<vmem>>, vector<1x16xf32>,
        %swap3A_241 = vector.shape_cast %swap3A_240 : vector<1x16xf32> to vector<16xf32>
        %swap3A_242 = vector.shape_cast %mul3A_237 : vector<16xf32> to vector<1x16xf32>
        tpu.vector_store %arg11[%swap3A_238, %swap3A_239], %swap3A_242 {strides = array<i32>} : memref<40x128xf32, #tpu.memory_space<vmem>>, vector<1x16xf32>,
        %get3A_243 = arith.index_cast %scan3A_146 : i32 to index
        %get3A_244 = arith.constant 112 : index
        %get3A_245 = tpu.vector_load %arg11[%get3A_243, %get3A_244] {strides = array<i32>} : memref<40x128xf32, #tpu.memory_space<vmem>>, vector<1x16xf32>,
        %get3A_246 = vector.shape_cast %get3A_245 : vector<1x16xf32> to vector<16xf32>
        %get3A_247 = arith.index_cast %scan3A_146 : i32 to index
        %get3A_248 = arith.constant 112 : index
        %get3A_249 = tpu.vector_load %arg13[%get3A_247, %get3A_248] {strides = array<i32>} : memref<40x128xf32, #tpu.memory_space<vmem>>, vector<1x16xf32>,
        %get3A_250 = vector.shape_cast %get3A_249 : vector<1x16xf32> to vector<16xf32>
        %mul3A_251 = arith.mulf %get3A_246, %get3A_250 : vector<16xf32>
        %swap3A_252 = arith.index_cast %scan3A_146 : i32 to index
        %swap3A_253 = arith.constant 112 : index
        %swap3A_254 = tpu.vector_load %arg11[%swap3A_252, %swap3A_253] {strides = array<i32>} : memref<40x128xf32, #tpu.memory_space<vmem>>, vector<1x16xf32>,
        %swap3A_255 = vector.shape_cast %swap3A_254 : vector<1x16xf32> to vector<16xf32>
        %swap3A_256 = vector.shape_cast %mul3A_251 : vector<16xf32> to vector<1x16xf32>
        tpu.vector_store %arg11[%swap3A_252, %swap3A_253], %swap3A_256 {strides = array<i32>} : memref<40x128xf32, #tpu.memory_space<vmem>>, vector<1x16xf32>,
      }
      %scan3A_143 = arith.constant 40 : i32
      "tpu.region"() ({
        %run_scoped3A = tpu.sem_alloc : memref<!tpu.dma_semaphore, #tpu.memory_space<semaphore_mem>>
        %dma_start3A_146 = arith.constant 0 : i32
        %dma_start3A_147 = arith.constant 0 : i32
        %dma_start3A_148 = tpu.memref_slice %arg8[%dma_start3A_146, %dma_start3A_147] : memref<10240x128xf32, #tpu.memory_space<vmem_shared>> -> memref<10240x128xf32, #tpu.memory_space<vmem_shared>>
        tpu.enqueue_indirect_dma source(%arg11 : memref<40x128xf32, #tpu.memory_space<vmem>>) target(%dma_start3A_148 : memref<10240x128xf32, #tpu.memory_space<vmem_shared>>) offsets(%arg15 : memref<40xi32, #tpu.memory_space<vmem>>) semaphore(%run_scoped3A : memref<!tpu.dma_semaphore, #tpu.memory_space<semaphore_mem>>) {add = true}
        %dma_wait3A_149 = arith.constant 0 : i32
        %dma_wait3A_150 = arith.constant 0 : i32
        %dma_wait3A_151 = tpu.memref_slice %arg8[%dma_wait3A_149, %dma_wait3A_150] : memref<10240x128xf32, #tpu.memory_space<vmem_shared>> -> memref<10240x128xf32, #tpu.memory_space<vmem_shared>>
        tpu.wait_indirect_dma semaphore(%run_scoped3A : memref<!tpu.dma_semaphore, #tpu.memory_space<semaphore_mem>>) src(%arg11 : memref<40x128xf32, #tpu.memory_space<vmem>>) dst(%dma_wait3A_151 : memref<10240x128xf32, #tpu.memory_space<vmem_shared>>)
        tpu.yield
      }) : () -> ()
      %lt3A = arith.constant 61 : i32
      %lt3A_144 = arith.cmpi slt, %scan3A_67, %lt3A : i32
      %convert_element_type3A = arith.extui %lt3A_144 : i1 to i32
      %cond3A = arith.constant 0 : i32
      %cond3A_145 = arith.cmpi ne, %convert_element_type3A, %cond3A : i32
      scf.if %cond3A_145 {
        %mul3A_146 = arith.constant 2 : i32
        %mul3A_147 = arith.muli %mul3A_146, %scan3A_67 : i32
        %add3A_148 = arith.constant 3 : i32
        %add3A_149 = arith.addi %mul3A_147, %add3A_148 : i32
        %mul3A_150 = arith.constant 40 : i32
        %mul3A_151 = arith.muli %add3A_149, %mul3A_150 : i32
        %dma_start3A_152 = tpu.memref_slice %arg9[%mul3A_151] : memref<5000xi32, #tpu.memory_space<vmem>> -> memref<40xi32, #tpu.memory_space<vmem>>
        %dma_start3A_153 = arith.constant 0 : i32
        %dma_start3A_154 = arith.constant 0 : i32
        %dma_start3A_155 = tpu.memref_slice %arg2[%dma_start3A_153, %dma_start3A_154] : memref<10000x128xf32, #tpu.memory_space<hbm>> -> memref<10000x128xf32, #tpu.memory_space<hbm>>
        tpu.enqueue_indirect_dma source(%dma_start3A_155 : memref<10000x128xf32, #tpu.memory_space<hbm>>) target(%arg11 : memref<40x128xf32, #tpu.memory_space<vmem>>) offsets(%dma_start3A_152 : memref<40xi32, #tpu.memory_space<vmem>>) semaphore(%arg17 : memref<!tpu.dma_semaphore, #tpu.memory_space<semaphore_mem>>)
        %mul3A_156 = arith.constant 40 : i32
        %mul3A_157 = arith.muli %add3A_149, %mul3A_156 : i32
        %add3A_158 = arith.addi %mul3A_2, %mul3A_157 : i32
        %dma_start3A_159 = arith.constant 0 : i32
        %dma_start3A_160 = tpu.memref_slice %arg3[%add3A_158, %dma_start3A_159] : memref<160000x128xf32, #tpu.memory_space<hbm>> -> memref<40x128xf32, #tpu.memory_space<hbm>>
        %dma_start3A_161 = arith.constant 0 : i32
        %dma_start3A_162 = tpu.memref_slice %arg3[%add3A_158, %dma_start3A_161] : memref<160000x128xf32, #tpu.memory_space<hbm>> -> memref<40x128xf32, #tpu.memory_space<hbm>>
        tpu.enqueue_dma source(%dma_start3A_162 : memref<40x128xf32, #tpu.memory_space<hbm>>) target(%arg13 : memref<40x128xf32, #tpu.memory_space<vmem>>) target_semaphore(%arg17 : memref<!tpu.dma_semaphore, #tpu.memory_space<semaphore_mem>>)
        %mul3A_163 = arith.constant 40 : i32
        %mul3A_164 = arith.muli %add3A_149, %mul3A_163 : i32
        %add3A_165 = arith.addi %mul3A_2, %mul3A_164 : i32
        %dma_start3A_166 = tpu.memref_slice %arg5[%add3A_165] : memref<160000xi32, #tpu.memory_space<hbm>> -> memref<40xi32, #tpu.memory_space<hbm>>
        %dma_start3A_167 = tpu.memref_slice %arg5[%add3A_165] : memref<160000xi32, #tpu.memory_space<hbm>> -> memref<40xi32, #tpu.memory_space<hbm>>
        tpu.enqueue_dma source(%dma_start3A_167 : memref<40xi32, #tpu.memory_space<hbm>>) target(%arg15 : memref<40xi32, #tpu.memory_space<vmem>>) target_semaphore(%arg17 : memref<!tpu.dma_semaphore, #tpu.memory_space<semaphore_mem>>)
      } else {
      }
    }
    %scan3A_38 = arith.constant 62 : i32
    %dma_wait3A = arith.constant 4960 : i32
    %dma_wait3A_39 = tpu.memref_slice %arg9[%dma_wait3A] : memref<5000xi32, #tpu.memory_space<vmem>> -> memref<40xi32, #tpu.memory_space<vmem>>
    %dma_wait3A_40 = arith.constant 0 : i32
    %dma_wait3A_41 = arith.constant 0 : i32
    %dma_wait3A_42 = tpu.memref_slice %arg2[%dma_wait3A_40, %dma_wait3A_41] : memref<10000x128xf32, #tpu.memory_space<hbm>> -> memref<10000x128xf32, #tpu.memory_space<hbm>>
    tpu.wait_indirect_dma semaphore(%arg16 : memref<!tpu.dma_semaphore, #tpu.memory_space<semaphore_mem>>) src(%dma_wait3A_42 : memref<10000x128xf32, #tpu.memory_space<hbm>>) dst(%arg10 : memref<40x128xf32, #tpu.memory_space<vmem>>)
    %add3A_43 = arith.constant 4960 : i32
    %add3A_44 = arith.addi %mul3A_2, %add3A_43 : i32
    %dma_wait3A_45 = arith.constant 0 : i32
    %dma_wait3A_46 = tpu.memref_slice %arg3[%add3A_44, %dma_wait3A_45] : memref<160000x128xf32, #tpu.memory_space<hbm>> -> memref<40x128xf32, #tpu.memory_space<hbm>>
    %dma_wait3A_47 = arith.constant 0 : i32
    %dma_wait3A_48 = tpu.memref_slice %arg3[%add3A_44, %dma_wait3A_47] : memref<160000x128xf32, #tpu.memory_space<hbm>> -> memref<40x128xf32, #tpu.memory_space<hbm>>
    tpu.wait_dma2 semaphore(%arg16 : memref<!tpu.dma_semaphore, #tpu.memory_space<semaphore_mem>>) src(%dma_wait3A_48 : memref<40x128xf32, #tpu.memory_space<hbm>>) dst(%arg12 : memref<40x128xf32, #tpu.memory_space<vmem>>)
    %add3A_49 = arith.constant 4960 : i32
    %add3A_50 = arith.addi %mul3A_2, %add3A_49 : i32
    %dma_wait3A_51 = tpu.memref_slice %arg5[%add3A_50] : memref<160000xi32, #tpu.memory_space<hbm>> -> memref<40xi32, #tpu.memory_space<hbm>>
    %dma_wait3A_52 = tpu.memref_slice %arg5[%add3A_50] : memref<160000xi32, #tpu.memory_space<hbm>> -> memref<40xi32, #tpu.memory_space<hbm>>
    tpu.wait_dma2 semaphore(%arg16 : memref<!tpu.dma_semaphore, #tpu.memory_space<semaphore_mem>>) src(%dma_wait3A_52 : memref<40xi32, #tpu.memory_space<hbm>>) dst(%arg14 : memref<40xi32, #tpu.memory_space<vmem>>)
    %scan3A_53 = arith.constant 0 : i32
    %scan3A_54 = arith.constant 0 : i32
    %scan3A_55 = arith.constant 40 : i32
    %scan3A_56 = arith.addi %scan3A_54, %scan3A_55 : i32
    %scan3A_57 = arith.constant 1 : i32
    scf.for %scan3A_67 = %scan3A_54 to %scan3A_56 step %scan3A_57  : i32 {
      %get3A = arith.index_cast %scan3A_67 : i32 to index
      %get3A_68 = arith.constant 0 : index
      %get3A_69 = tpu.vector_load %arg10[%get3A, %get3A_68] {strides = array<i32>} : memref<40x128xf32, #tpu.memory_space<vmem>>, vector<1x16xf32>,
      %get3A_70 = vector.shape_cast %get3A_69 : vector<1x16xf32> to vector<16xf32>
      %get3A_71 = arith.index_cast %scan3A_67 : i32 to index
      %get3A_72 = arith.constant 0 : index
      %get3A_73 = tpu.vector_load %arg12[%get3A_71, %get3A_72] {strides = array<i32>} : memref<40x128xf32, #tpu.memory_space<vmem>>, vector<1x16xf32>,
      %get3A_74 = vector.shape_cast %get3A_73 : vector<1x16xf32> to vector<16xf32>
      %mul3A_75 = arith.mulf %get3A_70, %get3A_74 : vector<16xf32>
      %swap3A = arith.index_cast %scan3A_67 : i32 to index
      %swap3A_76 = arith.constant 0 : index
      %swap3A_77 = tpu.vector_load %arg10[%swap3A, %swap3A_76] {strides = array<i32>} : memref<40x128xf32, #tpu.memory_space<vmem>>, vector<1x16xf32>,
      %swap3A_78 = vector.shape_cast %swap3A_77 : vector<1x16xf32> to vector<16xf32>
      %swap3A_79 = vector.shape_cast %mul3A_75 : vector<16xf32> to vector<1x16xf32>
      tpu.vector_store %arg10[%swap3A, %swap3A_76], %swap3A_79 {strides = array<i32>} : memref<40x128xf32, #tpu.memory_space<vmem>>, vector<1x16xf32>,
      %get3A_80 = arith.index_cast %scan3A_67 : i32 to index
      %get3A_81 = arith.constant 16 : index
      %get3A_82 = tpu.vector_load %arg10[%get3A_80, %get3A_81] {strides = array<i32>} : memref<40x128xf32, #tpu.memory_space<vmem>>, vector<1x16xf32>,
      %get3A_83 = vector.shape_cast %get3A_82 : vector<1x16xf32> to vector<16xf32>
      %get3A_84 = arith.index_cast %scan3A_67 : i32 to index
      %get3A_85 = arith.constant 16 : index
      %get3A_86 = tpu.vector_load %arg12[%get3A_84, %get3A_85] {strides = array<i32>} : memref<40x128xf32, #tpu.memory_space<vmem>>, vector<1x16xf32>,
      %get3A_87 = vector.shape_cast %get3A_86 : vector<1x16xf32> to vector<16xf32>
      %mul3A_88 = arith.mulf %get3A_83, %get3A_87 : vector<16xf32>
      %swap3A_89 = arith.index_cast %scan3A_67 : i32 to index
      %swap3A_90 = arith.constant 16 : index
      %swap3A_91 = tpu.vector_load %arg10[%swap3A_89, %swap3A_90] {strides = array<i32>} : memref<40x128xf32, #tpu.memory_space<vmem>>, vector<1x16xf32>,
      %swap3A_92 = vector.shape_cast %swap3A_91 : vector<1x16xf32> to vector<16xf32>
      %swap3A_93 = vector.shape_cast %mul3A_88 : vector<16xf32> to vector<1x16xf32>
      tpu.vector_store %arg10[%swap3A_89, %swap3A_90], %swap3A_93 {strides = array<i32>} : memref<40x128xf32, #tpu.memory_space<vmem>>, vector<1x16xf32>,
      %get3A_94 = arith.index_cast %scan3A_67 : i32 to index
      %get3A_95 = arith.constant 32 : index
      %get3A_96 = tpu.vector_load %arg10[%get3A_94, %get3A_95] {strides = array<i32>} : memref<40x128xf32, #tpu.memory_space<vmem>>, vector<1x16xf32>,
      %get3A_97 = vector.shape_cast %get3A_96 : vector<1x16xf32> to vector<16xf32>
      %get3A_98 = arith.index_cast %scan3A_67 : i32 to index
      %get3A_99 = arith.constant 32 : index
      %get3A_100 = tpu.vector_load %arg12[%get3A_98, %get3A_99] {strides = array<i32>} : memref<40x128xf32, #tpu.memory_space<vmem>>, vector<1x16xf32>,
      %get3A_101 = vector.shape_cast %get3A_100 : vector<1x16xf32> to vector<16xf32>
      %mul3A_102 = arith.mulf %get3A_97, %get3A_101 : vector<16xf32>
      %swap3A_103 = arith.index_cast %scan3A_67 : i32 to index
      %swap3A_104 = arith.constant 32 : index
      %swap3A_105 = tpu.vector_load %arg10[%swap3A_103, %swap3A_104] {strides = array<i32>} : memref<40x128xf32, #tpu.memory_space<vmem>>, vector<1x16xf32>,
      %swap3A_106 = vector.shape_cast %swap3A_105 : vector<1x16xf32> to vector<16xf32>
      %swap3A_107 = vector.shape_cast %mul3A_102 : vector<16xf32> to vector<1x16xf32>
      tpu.vector_store %arg10[%swap3A_103, %swap3A_104], %swap3A_107 {strides = array<i32>} : memref<40x128xf32, #tpu.memory_space<vmem>>, vector<1x16xf32>,
      %get3A_108 = arith.index_cast %scan3A_67 : i32 to index
      %get3A_109 = arith.constant 48 : index
      %get3A_110 = tpu.vector_load %arg10[%get3A_108, %get3A_109] {strides = array<i32>} : memref<40x128xf32, #tpu.memory_space<vmem>>, vector<1x16xf32>,
      %get3A_111 = vector.shape_cast %get3A_110 : vector<1x16xf32> to vector<16xf32>
      %get3A_112 = arith.index_cast %scan3A_67 : i32 to index
      %get3A_113 = arith.constant 48 : index
      %get3A_114 = tpu.vector_load %arg12[%get3A_112, %get3A_113] {strides = array<i32>} : memref<40x128xf32, #tpu.memory_space<vmem>>, vector<1x16xf32>,
      %get3A_115 = vector.shape_cast %get3A_114 : vector<1x16xf32> to vector<16xf32>
      %mul3A_116 = arith.mulf %get3A_111, %get3A_115 : vector<16xf32>
      %swap3A_117 = arith.index_cast %scan3A_67 : i32 to index
      %swap3A_118 = arith.constant 48 : index
      %swap3A_119 = tpu.vector_load %arg10[%swap3A_117, %swap3A_118] {strides = array<i32>} : memref<40x128xf32, #tpu.memory_space<vmem>>, vector<1x16xf32>,
      %swap3A_120 = vector.shape_cast %swap3A_119 : vector<1x16xf32> to vector<16xf32>
      %swap3A_121 = vector.shape_cast %mul3A_116 : vector<16xf32> to vector<1x16xf32>
      tpu.vector_store %arg10[%swap3A_117, %swap3A_118], %swap3A_121 {strides = array<i32>} : memref<40x128xf32, #tpu.memory_space<vmem>>, vector<1x16xf32>,
      %get3A_122 = arith.index_cast %scan3A_67 : i32 to index
      %get3A_123 = arith.constant 64 : index
      %get3A_124 = tpu.vector_load %arg10[%get3A_122, %get3A_123] {strides = array<i32>} : memref<40x128xf32, #tpu.memory_space<vmem>>, vector<1x16xf32>,
      %get3A_125 = vector.shape_cast %get3A_124 : vector<1x16xf32> to vector<16xf32>
      %get3A_126 = arith.index_cast %scan3A_67 : i32 to index
      %get3A_127 = arith.constant 64 : index
      %get3A_128 = tpu.vector_load %arg12[%get3A_126, %get3A_127] {strides = array<i32>} : memref<40x128xf32, #tpu.memory_space<vmem>>, vector<1x16xf32>,
      %get3A_129 = vector.shape_cast %get3A_128 : vector<1x16xf32> to vector<16xf32>
      %mul3A_130 = arith.mulf %get3A_125, %get3A_129 : vector<16xf32>
      %swap3A_131 = arith.index_cast %scan3A_67 : i32 to index
      %swap3A_132 = arith.constant 64 : index
      %swap3A_133 = tpu.vector_load %arg10[%swap3A_131, %swap3A_132] {strides = array<i32>} : memref<40x128xf32, #tpu.memory_space<vmem>>, vector<1x16xf32>,
      %swap3A_134 = vector.shape_cast %swap3A_133 : vector<1x16xf32> to vector<16xf32>
      %swap3A_135 = vector.shape_cast %mul3A_130 : vector<16xf32> to vector<1x16xf32>
      tpu.vector_store %arg10[%swap3A_131, %swap3A_132], %swap3A_135 {strides = array<i32>} : memref<40x128xf32, #tpu.memory_space<vmem>>, vector<1x16xf32>,
      %get3A_136 = arith.index_cast %scan3A_67 : i32 to index
      %get3A_137 = arith.constant 80 : index
      %get3A_138 = tpu.vector_load %arg10[%get3A_136, %get3A_137] {strides = array<i32>} : memref<40x128xf32, #tpu.memory_space<vmem>>, vector<1x16xf32>,
      %get3A_139 = vector.shape_cast %get3A_138 : vector<1x16xf32> to vector<16xf32>
      %get3A_140 = arith.index_cast %scan3A_67 : i32 to index
      %get3A_141 = arith.constant 80 : index
      %get3A_142 = tpu.vector_load %arg12[%get3A_140, %get3A_141] {strides = array<i32>} : memref<40x128xf32, #tpu.memory_space<vmem>>, vector<1x16xf32>,
      %get3A_143 = vector.shape_cast %get3A_142 : vector<1x16xf32> to vector<16xf32>
      %mul3A_144 = arith.mulf %get3A_139, %get3A_143 : vector<16xf32>
      %swap3A_145 = arith.index_cast %scan3A_67 : i32 to index
      %swap3A_146 = arith.constant 80 : index
      %swap3A_147 = tpu.vector_load %arg10[%swap3A_145, %swap3A_146] {strides = array<i32>} : memref<40x128xf32, #tpu.memory_space<vmem>>, vector<1x16xf32>,
      %swap3A_148 = vector.shape_cast %swap3A_147 : vector<1x16xf32> to vector<16xf32>
      %swap3A_149 = vector.shape_cast %mul3A_144 : vector<16xf32> to vector<1x16xf32>
      tpu.vector_store %arg10[%swap3A_145, %swap3A_146], %swap3A_149 {strides = array<i32>} : memref<40x128xf32, #tpu.memory_space<vmem>>, vector<1x16xf32>,
      %get3A_150 = arith.index_cast %scan3A_67 : i32 to index
      %get3A_151 = arith.constant 96 : index
      %get3A_152 = tpu.vector_load %arg10[%get3A_150, %get3A_151] {strides = array<i32>} : memref<40x128xf32, #tpu.memory_space<vmem>>, vector<1x16xf32>,
      %get3A_153 = vector.shape_cast %get3A_152 : vector<1x16xf32> to vector<16xf32>
      %get3A_154 = arith.index_cast %scan3A_67 : i32 to index
      %get3A_155 = arith.constant 96 : index
      %get3A_156 = tpu.vector_load %arg12[%get3A_154, %get3A_155] {strides = array<i32>} : memref<40x128xf32, #tpu.memory_space<vmem>>, vector<1x16xf32>,
      %get3A_157 = vector.shape_cast %get3A_156 : vector<1x16xf32> to vector<16xf32>
      %mul3A_158 = arith.mulf %get3A_153, %get3A_157 : vector<16xf32>
      %swap3A_159 = arith.index_cast %scan3A_67 : i32 to index
      %swap3A_160 = arith.constant 96 : index
      %swap3A_161 = tpu.vector_load %arg10[%swap3A_159, %swap3A_160] {strides = array<i32>} : memref<40x128xf32, #tpu.memory_space<vmem>>, vector<1x16xf32>,
      %swap3A_162 = vector.shape_cast %swap3A_161 : vector<1x16xf32> to vector<16xf32>
      %swap3A_163 = vector.shape_cast %mul3A_158 : vector<16xf32> to vector<1x16xf32>
      tpu.vector_store %arg10[%swap3A_159, %swap3A_160], %swap3A_163 {strides = array<i32>} : memref<40x128xf32, #tpu.memory_space<vmem>>, vector<1x16xf32>,
      %get3A_164 = arith.index_cast %scan3A_67 : i32 to index
      %get3A_165 = arith.constant 112 : index
      %get3A_166 = tpu.vector_load %arg10[%get3A_164, %get3A_165] {strides = array<i32>} : memref<40x128xf32, #tpu.memory_space<vmem>>, vector<1x16xf32>,
      %get3A_167 = vector.shape_cast %get3A_166 : vector<1x16xf32> to vector<16xf32>
      %get3A_168 = arith.index_cast %scan3A_67 : i32 to index
      %get3A_169 = arith.constant 112 : index
      %get3A_170 = tpu.vector_load %arg12[%get3A_168, %get3A_169] {strides = array<i32>} : memref<40x128xf32, #tpu.memory_space<vmem>>, vector<1x16xf32>,
      %get3A_171 = vector.shape_cast %get3A_170 : vector<1x16xf32> to vector<16xf32>
      %mul3A_172 = arith.mulf %get3A_167, %get3A_171 : vector<16xf32>
      %swap3A_173 = arith.index_cast %scan3A_67 : i32 to index
      %swap3A_174 = arith.constant 112 : index
      %swap3A_175 = tpu.vector_load %arg10[%swap3A_173, %swap3A_174] {strides = array<i32>} : memref<40x128xf32, #tpu.memory_space<vmem>>, vector<1x16xf32>,
      %swap3A_176 = vector.shape_cast %swap3A_175 : vector<1x16xf32> to vector<16xf32>
      %swap3A_177 = vector.shape_cast %mul3A_172 : vector<16xf32> to vector<1x16xf32>
      tpu.vector_store %arg10[%swap3A_173, %swap3A_174], %swap3A_177 {strides = array<i32>} : memref<40x128xf32, #tpu.memory_space<vmem>>, vector<1x16xf32>,
    }
    %scan3A_58 = arith.constant 40 : i32
    "tpu.region"() ({
      %run_scoped3A = tpu.sem_alloc : memref<!tpu.dma_semaphore, #tpu.memory_space<semaphore_mem>>
      %dma_start3A_67 = arith.constant 0 : i32
      %dma_start3A_68 = arith.constant 0 : i32
      %dma_start3A_69 = tpu.memref_slice %arg8[%dma_start3A_67, %dma_start3A_68] : memref<10240x128xf32, #tpu.memory_space<vmem_shared>> -> memref<10240x128xf32, #tpu.memory_space<vmem_shared>>
      tpu.enqueue_indirect_dma source(%arg10 : memref<40x128xf32, #tpu.memory_space<vmem>>) target(%dma_start3A_69 : memref<10240x128xf32, #tpu.memory_space<vmem_shared>>) offsets(%arg14 : memref<40xi32, #tpu.memory_space<vmem>>) semaphore(%run_scoped3A : memref<!tpu.dma_semaphore, #tpu.memory_space<semaphore_mem>>) {add = true}
      %dma_wait3A_70 = arith.constant 0 : i32
      %dma_wait3A_71 = arith.constant 0 : i32
      %dma_wait3A_72 = tpu.memref_slice %arg8[%dma_wait3A_70, %dma_wait3A_71] : memref<10240x128xf32, #tpu.memory_space<vmem_shared>> -> memref<10240x128xf32, #tpu.memory_space<vmem_shared>>
      tpu.wait_indirect_dma semaphore(%run_scoped3A : memref<!tpu.dma_semaphore, #tpu.memory_space<semaphore_mem>>) src(%arg10 : memref<40x128xf32, #tpu.memory_space<vmem>>) dst(%dma_wait3A_72 : memref<10240x128xf32, #tpu.memory_space<vmem_shared>>)
      tpu.yield
    }) : () -> ()
    %barrier3A_59 = arith.constant 0 : index
    tpu.barrier barrier_id(%barrier3A_59)
    %mul3A_60 = arith.constant 640 : i32
    %mul3A_61 = arith.muli %arg1, %mul3A_60 : i32
    %mul3A_62 = arith.constant 10240 : i32
    %mul3A_63 = arith.muli %arg0, %mul3A_62 : i32
    %mul3A_64 = arith.constant 640 : i32
    %mul3A_65 = arith.muli %arg1, %mul3A_64 : i32
    %add3A_66 = arith.addi %mul3A_63, %mul3A_65 : i32
    "tpu.region"() ({
      %run_scoped3A = tpu.sem_alloc : memref<!tpu.dma_semaphore, #tpu.memory_space<semaphore_mem>>
      %dma_start3A_67 = arith.constant 0 : i32
      %dma_start3A_68 = tpu.memref_slice %arg7[%add3A_66, %dma_start3A_67] : memref<20480x128xf32, #tpu.memory_space<hbm>> -> memref<640x128xf32, #tpu.memory_space<hbm>>
      %dma_start3A_69 = arith.constant 0 : i32
      %dma_start3A_70 = tpu.memref_slice %arg8[%mul3A_61, %dma_start3A_69] : memref<10240x128xf32, #tpu.memory_space<vmem_shared>> -> memref<640x128xf32, #tpu.memory_space<vmem_shared>>
      tpu.enqueue_dma source(%dma_start3A_70 : memref<640x128xf32, #tpu.memory_space<vmem_shared>>) target(%dma_start3A_68 : memref<640x128xf32, #tpu.memory_space<hbm>>) target_semaphore(%run_scoped3A : memref<!tpu.dma_semaphore, #tpu.memory_space<semaphore_mem>>)
      %dma_wait3A_71 = arith.constant 0 : i32
      %dma_wait3A_72 = tpu.memref_slice %arg7[%add3A_66, %dma_wait3A_71] : memref<20480x128xf32, #tpu.memory_space<hbm>> -> memref<640x128xf32, #tpu.memory_space<hbm>>
      %dma_wait3A_73 = arith.constant 0 : i32
      %dma_wait3A_74 = tpu.memref_slice %arg8[%mul3A_61, %dma_wait3A_73] : memref<10240x128xf32, #tpu.memory_space<vmem_shared>> -> memref<640x128xf32, #tpu.memory_space<vmem_shared>>
      tpu.wait_dma2 semaphore(%run_scoped3A : memref<!tpu.dma_semaphore, #tpu.memory_space<semaphore_mem>>) src(%dma_wait3A_74 : memref<640x128xf32, #tpu.memory_space<vmem_shared>>) dst(%dma_wait3A_72 : memref<640x128xf32, #tpu.memory_space<hbm>>)
      tpu.yield
    }) : () -> ()
    return
  }
}

module attributes {stable_mosaic.version = 14 : i64} {
  func.func @_c_body(%arg0: memref<1250x128xf32, #tpu.memory_space<vmem>>, %arg1: memref<1250x128xf32, #tpu.memory_space<vmem>>) attributes {dimension_semantics = [], scalar_prefetch = 0 : i64, scratch_operands = 0 : i64, tpu.core_type = #tpu.core_type<tc>} {
    %get3A = arith.constant 0 : index
    %get3A_0 = arith.constant 0 : index
    %get3A_1 = vector.load %arg0[%get3A, %get3A_0] : memref<1250x128xf32, #tpu.memory_space<vmem>>, vector<1250x128xf32>
    %mul3A = arith.constant 4.000000e-01 : f32
    %mul3A_2 = vector.broadcast %mul3A : f32 to vector<1250x128xf32>
    %mul3A_3 = arith.mulf %get3A_1, %mul3A_2 : vector<1250x128xf32>
    %sub3A = arith.constant 1.000000e+00 : f32
    %sub3A_4 = vector.broadcast %sub3A : f32 to vector<1250x128xf32>
    %sub3A_5 = arith.subf %mul3A_3, %sub3A_4 : vector<1250x128xf32>
    %mul3A_6 = arith.mulf %sub3A_5, %sub3A_5 : vector<1250x128xf32>
    %mul3A_7 = arith.constant -3.42523936E-6 : f32
    %mul3A_8 = vector.broadcast %mul3A_7 : f32 to vector<1250x128xf32>
    %mul3A_9 = arith.mulf %mul3A_8, %mul3A_6 : vector<1250x128xf32>
    %add3A = arith.constant 1.60235184E-4 : f32
    %add3A_10 = vector.broadcast %add3A : f32 to vector<1250x128xf32>
    %add3A_11 = arith.addf %mul3A_9, %add3A_10 : vector<1250x128xf32>
    %mul3A_12 = arith.mulf %add3A_11, %mul3A_6 : vector<1250x128xf32>
    %add3A_13 = arith.constant -0.00468163704 : f32
    %add3A_14 = vector.broadcast %add3A_13 : f32 to vector<1250x128xf32>
    %add3A_15 = arith.addf %mul3A_12, %add3A_14 : vector<1250x128xf32>
    %mul3A_16 = arith.mulf %add3A_15, %mul3A_6 : vector<1250x128xf32>
    %add3A_17 = arith.constant 0.0796925947 : f32
    %add3A_18 = vector.broadcast %add3A_17 : f32 to vector<1250x128xf32>
    %add3A_19 = arith.addf %mul3A_16, %add3A_18 : vector<1250x128xf32>
    %mul3A_20 = arith.mulf %add3A_19, %mul3A_6 : vector<1250x128xf32>
    %add3A_21 = arith.constant -0.645964086 : f32
    %add3A_22 = vector.broadcast %add3A_21 : f32 to vector<1250x128xf32>
    %add3A_23 = arith.addf %mul3A_20, %add3A_22 : vector<1250x128xf32>
    %mul3A_24 = arith.mulf %add3A_23, %mul3A_6 : vector<1250x128xf32>
    %add3A_25 = arith.constant 1.57079625 : f32
    %add3A_26 = vector.broadcast %add3A_25 : f32 to vector<1250x128xf32>
    %add3A_27 = arith.addf %mul3A_24, %add3A_26 : vector<1250x128xf32>
    %mul3A_28 = arith.mulf %add3A_27, %sub3A_5 : vector<1250x128xf32>
    %mul3A_29 = arith.constant 5.000000e-01 : f32
    %mul3A_30 = vector.broadcast %mul3A_29 : f32 to vector<1250x128xf32>
    %mul3A_31 = arith.mulf %mul3A_30, %mul3A_28 : vector<1250x128xf32>
    %sub3A_32 = arith.constant 5.000000e-01 : f32
    %sub3A_33 = vector.broadcast %sub3A_32 : f32 to vector<1250x128xf32>
    %sub3A_34 = arith.subf %sub3A_33, %mul3A_31 : vector<1250x128xf32>
    %lt3A = arith.constant 5.000000e+00 : f32
    %lt3A_35 = vector.broadcast %lt3A : f32 to vector<1250x128xf32>
    %lt3A_36 = arith.cmpf olt, %get3A_1, %lt3A_35 : vector<1250x128xf32>
    %jit3A = arith.constant 0.000000e+00 : f32
    %broadcast_in_dim3A = vector.broadcast %jit3A : f32 to vector<1250x128xf32>
    %select_n3A = arith.select %lt3A_36, %sub3A_34, %broadcast_in_dim3A : vector<1250x128xi1>, vector<1250x128xf32>
    %swap3A = arith.constant 0 : index
    %swap3A_37 = arith.constant 0 : index
    %swap3A_38 = vector.load %arg1[%swap3A, %swap3A_37] : memref<1250x128xf32, #tpu.memory_space<vmem>>, vector<1250x128xf32>
    tpu.vector_store %arg1[%swap3A, %swap3A_37], %select_n3A {strides = array<i32>} : memref<1250x128xf32, #tpu.memory_space<vmem>>, vector<1250x128xf32>,
    return
  }
}

module attributes {stable_mosaic.version = 14 : i64} {
  func.func @_hv_body(%arg0: i32, %arg1: memref<2000x128xf32, #tpu.memory_space<vmem>>, %arg2: memref<128x128xf32, #tpu.memory_space<vmem>>, %arg3: memref<2000x128xf32, #tpu.memory_space<vmem>>) attributes {dimension_semantics = [#tpu.dimension_semantics<arbitrary>], iteration_bounds = array<i64: 5>, scalar_prefetch = 0 : i64, scratch_operands = 0 : i64, tpu.core_type = #tpu.core_type<tc>, window_params = [{transform_indices = @transform_0, window_bounds = array<i64: 2000, 128>}, {pipeline_mode = #tpu.pipeline_mode<synchronous>, transform_indices = @transform_1, window_bounds = array<i64: 128, 128>}, {transform_indices = @transform_2, window_bounds = array<i64: 2000, 128>}]} {
    %get3A = arith.constant 0 : index
    %get3A_0 = arith.constant 0 : index
    %get3A_1 = vector.load %arg1[%get3A, %get3A_0] : memref<2000x128xf32, #tpu.memory_space<vmem>>, vector<2000x128xf32>
    %get3A_2 = arith.constant 0 : index
    %get3A_3 = arith.constant 0 : index
    %get3A_4 = vector.load %arg2[%get3A_2, %get3A_3] : memref<128x128xf32, #tpu.memory_space<vmem>>, vector<128x128xf32>
    %dot_general3A = arith.constant dense<0.000000e+00> : vector<2000x128xf32>
    %dot_general3A_5 = tpu.matmul %get3A_1, %get3A_4, %dot_general3A {dimension_numbers = #tpu.dot_dimension_numbers<[1], [0], [0], [1], [0, 0, 1, 1], [], []>, transpose_lhs_hint = false} : vector<2000x128xf32>, vector<128x128xf32>, vector<2000x128xf32> -> vector<2000x128xf32>
    %swap3A = arith.constant 0 : index
    %swap3A_6 = arith.constant 0 : index
    %swap3A_7 = vector.load %arg3[%swap3A, %swap3A_6] : memref<2000x128xf32, #tpu.memory_space<vmem>>, vector<2000x128xf32>
    tpu.vector_store %arg3[%swap3A, %swap3A_6], %dot_general3A_5 {strides = array<i32>} : memref<2000x128xf32, #tpu.memory_space<vmem>>, vector<2000x128xf32>,
    return
  }
  func.func @transform_0(%arg0: i32) -> (i32, i32) {
    %c0_i32 = arith.constant 0 : i32
    %c0_i32_0 = arith.constant 0 : i32
    return %arg0, %c0_i32 : i32, i32
  }
  func.func @transform_1(%arg0: i32) -> (i32, i32) {
    %c0_i32 = arith.constant 0 : i32
    %c0_i32_0 = arith.constant 0 : i32
    %c0_i32_1 = arith.constant 0 : i32
    return %c0_i32, %c0_i32_0 : i32, i32
  }
  func.func @transform_2(%arg0: i32) -> (i32, i32) {
    %c0_i32 = arith.constant 0 : i32
    %c0_i32_0 = arith.constant 0 : i32
    return %arg0, %c0_i32 : i32, i32
  }
}

module attributes {stable_mosaic.version = 14 : i64} {
  func.func @_he_body(%arg0: i32, %arg1: memref<50x3200xf32, #tpu.memory_space<vmem>>, %arg2: memref<3200x1xf32, #tpu.memory_space<vmem>>, %arg3: memref<50x128xf32, #tpu.memory_space<vmem>>, %arg4: memref<1x128xf32, #tpu.memory_space<vmem>>, %arg5: memref<128x128xf32, #tpu.memory_space<vmem>>, %arg6: memref<1x128xf32, #tpu.memory_space<vmem>>, %arg7: memref<3200x128xf32, #tpu.memory_space<vmem>>) attributes {dimension_semantics = [#tpu.dimension_semantics<arbitrary>], iteration_bounds = array<i64: 50>, scalar_prefetch = 0 : i64, scratch_operands = 0 : i64, tpu.core_type = #tpu.core_type<tc>, window_params = [{transform_indices = @transform_0, window_bounds = array<i64: 50, 3200>}, {transform_indices = @transform_1, window_bounds = array<i64: 3200, 1>}, {pipeline_mode = #tpu.pipeline_mode<synchronous>, transform_indices = @transform_2, window_bounds = array<i64: 50, 128>}, {pipeline_mode = #tpu.pipeline_mode<synchronous>, transform_indices = @transform_3, window_bounds = array<i64: 1, 128>}, {pipeline_mode = #tpu.pipeline_mode<synchronous>, transform_indices = @transform_4, window_bounds = array<i64: 128, 128>}, {pipeline_mode = #tpu.pipeline_mode<synchronous>, transform_indices = @transform_5, window_bounds = array<i64: 1, 128>}, {transform_indices = @transform_6, window_bounds = array<i64: 3200, 128>}]} {
    %get3A = arith.constant 0 : index
    %get3A_0 = arith.constant 0 : index
    %get3A_1 = vector.load %arg1[%get3A, %get3A_0] : memref<50x3200xf32, #tpu.memory_space<vmem>>, vector<50x3200xf32>
    %get3A_2 = arith.constant 0 : index
    %get3A_3 = arith.constant 0 : index
    %get3A_4 = vector.load %arg3[%get3A_2, %get3A_3] : memref<50x128xf32, #tpu.memory_space<vmem>>, vector<50x128xf32>
    %dot_general3A = arith.constant dense<0.000000e+00> : vector<3200x128xf32>
    %dot_general3A_5 = tpu.matmul %get3A_1, %get3A_4, %dot_general3A {dimension_numbers = #tpu.dot_dimension_numbers<[0], [0], [1], [1], [0, 1, 1, 1], [], []>, transpose_lhs_hint = false} : vector<50x3200xf32>, vector<50x128xf32>, vector<3200x128xf32> -> vector<3200x128xf32>
    %get3A_6 = arith.constant 0 : index
    %get3A_7 = arith.constant 0 : index
    %get3A_8 = vector.load %arg4[%get3A_6, %get3A_7] : memref<1x128xf32, #tpu.memory_space<vmem>>, vector<1x128xf32>
    %add3A = vector.broadcast %get3A_8 : vector<1x128xf32> to vector<3200x128xf32>
    %add3A_9 = arith.addf %dot_general3A_5, %add3A : vector<3200x128xf32>
    %max3A = arith.constant 0.000000e+00 : f32
    %max3A_10 = vector.broadcast %max3A : f32 to vector<3200x128xf32>
    %max3A_11 = arith.maximumf %add3A_9, %max3A_10 : vector<3200x128xf32>
    %abs3A = math.absf %add3A_9 : vector<3200x128xf32>
    %neg3A = arith.constant 0.000000e+00 : f32
    %neg3A_12 = vector.broadcast %neg3A : f32 to vector<3200x128xf32>
    %neg3A_13 = arith.subf %neg3A_12, %abs3A : vector<3200x128xf32>
    %exp3A = math.exp %neg3A_13 : vector<3200x128xf32>
    %log1p3A = math.log1p %exp3A : vector<3200x128xf32>
    %add3A_14 = arith.addf %max3A_11, %log1p3A : vector<3200x128xf32>
    %sub3A = arith.constant 0.693147182 : f32
    %sub3A_15 = vector.broadcast %sub3A : f32 to vector<3200x128xf32>
    %sub3A_16 = arith.subf %add3A_14, %sub3A_15 : vector<3200x128xf32>
    %get3A_17 = arith.constant 0 : index
    %get3A_18 = arith.constant 0 : index
    %get3A_19 = vector.load %arg5[%get3A_17, %get3A_18] : memref<128x128xf32, #tpu.memory_space<vmem>>, vector<128x128xf32>
    %dot_general3A_20 = arith.constant dense<0.000000e+00> : vector<3200x128xf32>
    %dot_general3A_21 = tpu.matmul %sub3A_16, %get3A_19, %dot_general3A_20 {dimension_numbers = #tpu.dot_dimension_numbers<[1], [0], [0], [1], [0, 0, 1, 1], [], []>, transpose_lhs_hint = false} : vector<3200x128xf32>, vector<128x128xf32>, vector<3200x128xf32> -> vector<3200x128xf32>
    %get3A_22 = arith.constant 0 : index
    %get3A_23 = arith.constant 0 : index
    %get3A_24 = vector.load %arg6[%get3A_22, %get3A_23] : memref<1x128xf32, #tpu.memory_space<vmem>>, vector<1x128xf32>
    %add3A_25 = vector.broadcast %get3A_24 : vector<1x128xf32> to vector<3200x128xf32>
    %add3A_26 = arith.addf %dot_general3A_21, %add3A_25 : vector<3200x128xf32>
    %get3A_27 = arith.constant 0 : index
    %get3A_28 = arith.constant 0 : index
    %get3A_29 = vector.load %arg2[%get3A_27, %get3A_28] : memref<3200x1xf32, #tpu.memory_space<vmem>>, vector<3200x1xf32>
    %mul3A = vector.broadcast %get3A_29 : vector<3200x1xf32> to vector<3200x128xf32>
    %mul3A_30 = arith.mulf %add3A_26, %mul3A : vector<3200x128xf32>
    %swap3A = arith.constant 0 : index
    %swap3A_31 = arith.constant 0 : index
    %swap3A_32 = vector.load %arg7[%swap3A, %swap3A_31] : memref<3200x128xf32, #tpu.memory_space<vmem>>, vector<3200x128xf32>
    tpu.vector_store %arg7[%swap3A, %swap3A_31], %mul3A_30 {strides = array<i32>} : memref<3200x128xf32, #tpu.memory_space<vmem>>, vector<3200x128xf32>,
    return
  }
  func.func @transform_0(%arg0: i32) -> (i32, i32) {
    %c0_i32 = arith.constant 0 : i32
    %c0_i32_0 = arith.constant 0 : i32
    return %c0_i32, %arg0 : i32, i32
  }
  func.func @transform_1(%arg0: i32) -> (i32, i32) {
    %c0_i32 = arith.constant 0 : i32
    %c0_i32_0 = arith.constant 0 : i32
    return %arg0, %c0_i32 : i32, i32
  }
  func.func @transform_2(%arg0: i32) -> (i32, i32) {
    %c0_i32 = arith.constant 0 : i32
    %c0_i32_0 = arith.constant 0 : i32
    %c0_i32_1 = arith.constant 0 : i32
    return %c0_i32, %c0_i32_0 : i32, i32
  }
  func.func @transform_3(%arg0: i32) -> (i32, i32) {
    %c0_i32 = arith.constant 0 : i32
    %c0_i32_0 = arith.constant 0 : i32
    %c0_i32_1 = arith.constant 0 : i32
    return %c0_i32, %c0_i32_0 : i32, i32
  }
  func.func @transform_4(%arg0: i32) -> (i32, i32) {
    %c0_i32 = arith.constant 0 : i32
    %c0_i32_0 = arith.constant 0 : i32
    %c0_i32_1 = arith.constant 0 : i32
    return %c0_i32, %c0_i32_0 : i32, i32
  }
  func.func @transform_5(%arg0: i32) -> (i32, i32) {
    %c0_i32 = arith.constant 0 : i32
    %c0_i32_0 = arith.constant 0 : i32
    %c0_i32_1 = arith.constant 0 : i32
    return %c0_i32, %c0_i32_0 : i32, i32
  }
  func.func @transform_6(%arg0: i32) -> (i32, i32) {
    %c0_i32 = arith.constant 0 : i32
    %c0_i32_0 = arith.constant 0 : i32
    return %arg0, %c0_i32 : i32, i32
  }
}

module attributes {stable_mosaic.version = 14 : i64} {
  func.func @_out_body(%arg0: i32, %arg1: memref<4x2000x128xf32, #tpu.memory_space<vmem>>, %arg2: memref<128x128xf32, #tpu.memory_space<vmem>>, %arg3: memref<1x128xf32, #tpu.memory_space<vmem>>, %arg4: memref<128x128xf32, #tpu.memory_space<vmem>>, %arg5: memref<1x128xf32, #tpu.memory_space<vmem>>, %arg6: memref<2000x128xf32, #tpu.memory_space<vmem>>) attributes {dimension_semantics = [#tpu.dimension_semantics<arbitrary>], iteration_bounds = array<i64: 5>, scalar_prefetch = 0 : i64, scratch_operands = 0 : i64, tpu.core_type = #tpu.core_type<tc>, window_params = [{transform_indices = @transform_0, window_bounds = array<i64: 4, 2000, 128>}, {pipeline_mode = #tpu.pipeline_mode<synchronous>, transform_indices = @transform_1, window_bounds = array<i64: 128, 128>}, {pipeline_mode = #tpu.pipeline_mode<synchronous>, transform_indices = @transform_2, window_bounds = array<i64: 1, 128>}, {pipeline_mode = #tpu.pipeline_mode<synchronous>, transform_indices = @transform_3, window_bounds = array<i64: 128, 128>}, {pipeline_mode = #tpu.pipeline_mode<synchronous>, transform_indices = @transform_4, window_bounds = array<i64: 1, 128>}, {transform_indices = @transform_5, window_bounds = array<i64: 2000, 128>}]} {
    %get3A = arith.constant 0 : index
    %get3A_0 = arith.constant 0 : index
    %get3A_1 = arith.constant 0 : index
    %get3A_2 = vector.load %arg1[%get3A, %get3A_0, %get3A_1] : memref<4x2000x128xf32, #tpu.memory_space<vmem>>, vector<1x2000x128xf32>
    %get3A_3 = vector.shape_cast %get3A_2 : vector<1x2000x128xf32> to vector<2000x128xf32>
    %get3A_4 = arith.constant 1 : index
    %get3A_5 = arith.constant 0 : index
    %get3A_6 = arith.constant 0 : index
    %get3A_7 = vector.load %arg1[%get3A_4, %get3A_5, %get3A_6] : memref<4x2000x128xf32, #tpu.memory_space<vmem>>, vector<1x2000x128xf32>
    %get3A_8 = vector.shape_cast %get3A_7 : vector<1x2000x128xf32> to vector<2000x128xf32>
    %add3A = arith.addf %get3A_3, %get3A_8 : vector<2000x128xf32>
    %get3A_9 = arith.constant 2 : index
    %get3A_10 = arith.constant 0 : index
    %get3A_11 = arith.constant 0 : index
    %get3A_12 = vector.load %arg1[%get3A_9, %get3A_10, %get3A_11] : memref<4x2000x128xf32, #tpu.memory_space<vmem>>, vector<1x2000x128xf32>
    %get3A_13 = vector.shape_cast %get3A_12 : vector<1x2000x128xf32> to vector<2000x128xf32>
    %get3A_14 = arith.constant 3 : index
    %get3A_15 = arith.constant 0 : index
    %get3A_16 = arith.constant 0 : index
    %get3A_17 = vector.load %arg1[%get3A_14, %get3A_15, %get3A_16] : memref<4x2000x128xf32, #tpu.memory_space<vmem>>, vector<1x2000x128xf32>
    %get3A_18 = vector.shape_cast %get3A_17 : vector<1x2000x128xf32> to vector<2000x128xf32>
    %add3A_19 = arith.addf %get3A_13, %get3A_18 : vector<2000x128xf32>
    %add3A_20 = arith.addf %add3A, %add3A_19 : vector<2000x128xf32>
    %get3A_21 = arith.constant 0 : index
    %get3A_22 = arith.constant 0 : index
    %get3A_23 = vector.load %arg2[%get3A_21, %get3A_22] : memref<128x128xf32, #tpu.memory_space<vmem>>, vector<128x128xf32>
    %dot_general3A = arith.constant dense<0.000000e+00> : vector<2000x128xf32>
    %dot_general3A_24 = tpu.matmul %add3A_20, %get3A_23, %dot_general3A {dimension_numbers = #tpu.dot_dimension_numbers<[1], [0], [0], [1], [0, 0, 1, 1], [], []>, transpose_lhs_hint = false} : vector<2000x128xf32>, vector<128x128xf32>, vector<2000x128xf32> -> vector<2000x128xf32>
    %get3A_25 = arith.constant 0 : index
    %get3A_26 = arith.constant 0 : index
    %get3A_27 = vector.load %arg3[%get3A_25, %get3A_26] : memref<1x128xf32, #tpu.memory_space<vmem>>, vector<1x128xf32>
    %add3A_28 = vector.broadcast %get3A_27 : vector<1x128xf32> to vector<2000x128xf32>
    %add3A_29 = arith.addf %dot_general3A_24, %add3A_28 : vector<2000x128xf32>
    %logistic3A = arith.negf %add3A_29 : vector<2000x128xf32>
    %logistic3A_30 = math.exp %logistic3A : vector<2000x128xf32>
    %logistic3A_31 = arith.constant 1.000000e+00 : f32
    %logistic3A_32 = vector.broadcast %logistic3A_31 : f32 to vector<2000x128xf32>
    %logistic3A_33 = arith.addf %logistic3A_32, %logistic3A_30 : vector<2000x128xf32>
    %logistic3A_34 = arith.divf %logistic3A_32, %logistic3A_33 : vector<2000x128xf32>
    %mul3A = arith.mulf %add3A_29, %logistic3A_34 : vector<2000x128xf32>
    %get3A_35 = arith.constant 0 : index
    %get3A_36 = arith.constant 0 : index
    %get3A_37 = vector.load %arg4[%get3A_35, %get3A_36] : memref<128x128xf32, #tpu.memory_space<vmem>>, vector<128x128xf32>
    %dot_general3A_38 = arith.constant dense<0.000000e+00> : vector<2000x128xf32>
    %dot_general3A_39 = tpu.matmul %mul3A, %get3A_37, %dot_general3A_38 {dimension_numbers = #tpu.dot_dimension_numbers<[1], [0], [0], [1], [0, 0, 1, 1], [], []>, transpose_lhs_hint = false} : vector<2000x128xf32>, vector<128x128xf32>, vector<2000x128xf32> -> vector<2000x128xf32>
    %get3A_40 = arith.constant 0 : index
    %get3A_41 = arith.constant 0 : index
    %get3A_42 = vector.load %arg5[%get3A_40, %get3A_41] : memref<1x128xf32, #tpu.memory_space<vmem>>, vector<1x128xf32>
    %add3A_43 = vector.broadcast %get3A_42 : vector<1x128xf32> to vector<2000x128xf32>
    %add3A_44 = arith.addf %dot_general3A_39, %add3A_43 : vector<2000x128xf32>
    %swap3A = arith.constant 0 : index
    %swap3A_45 = arith.constant 0 : index
    %swap3A_46 = vector.load %arg6[%swap3A, %swap3A_45] : memref<2000x128xf32, #tpu.memory_space<vmem>>, vector<2000x128xf32>
    tpu.vector_store %arg6[%swap3A, %swap3A_45], %add3A_44 {strides = array<i32>} : memref<2000x128xf32, #tpu.memory_space<vmem>>, vector<2000x128xf32>,
    return
  }
  func.func @transform_0(%arg0: i32) -> (i32, i32, i32) {
    %c0_i32 = arith.constant 0 : i32
    %c0_i32_0 = arith.constant 0 : i32
    %c0_i32_1 = arith.constant 0 : i32
    return %c0_i32, %arg0, %c0_i32_0 : i32, i32, i32
  }
  func.func @transform_1(%arg0: i32) -> (i32, i32) {
    %c0_i32 = arith.constant 0 : i32
    %c0_i32_0 = arith.constant 0 : i32
    %c0_i32_1 = arith.constant 0 : i32
    return %c0_i32, %c0_i32_0 : i32, i32
  }
  func.func @transform_2(%arg0: i32) -> (i32, i32) {
    %c0_i32 = arith.constant 0 : i32
    %c0_i32_0 = arith.constant 0 : i32
    %c0_i32_1 = arith.constant 0 : i32
    return %c0_i32, %c0_i32_0 : i32, i32
  }
  func.func @transform_3(%arg0: i32) -> (i32, i32) {
    %c0_i32 = arith.constant 0 : i32
    %c0_i32_0 = arith.constant 0 : i32
    %c0_i32_1 = arith.constant 0 : i32
    return %c0_i32, %c0_i32_0 : i32, i32
  }
  func.func @transform_4(%arg0: i32) -> (i32, i32) {
    %c0_i32 = arith.constant 0 : i32
    %c0_i32_0 = arith.constant 0 : i32
    %c0_i32_1 = arith.constant 0 : i32
    return %c0_i32, %c0_i32_0 : i32, i32
  }
  func.func @transform_5(%arg0: i32) -> (i32, i32) {
    %c0_i32 = arith.constant 0 : i32
    %c0_i32_0 = arith.constant 0 : i32
    return %arg0, %c0_i32 : i32, i32
  }
}

</mosaic_0001>

<sc_bundles>
// kernel: kernel.10.cloned.1.call-start
scs
__scs_entry_jumppad:
0x0: {  	(pc) =	sbr.rel $0x88, $3  }
0x1: {  	(tag) =	ssettag $0x0;
	lr =	simm.s32 $0x1  }
0x2: {  	[smem:$0x3F94] =	sst lr;
	_ =	strace $0xD0000000  }
0x3: {  	_ = 	snop  }
0x4: {  	_ = 	snop  }
0x5: {  	_ = 	snop  }
0x6: {  	_ = 	snop  }
0x7: {  	_ = 	snop  }
__scs_overlays_trampoline_lowered:
0x8: {  	[smem:$0x3FA3] =	sst s0  }
0x9: {  	[smem:$0x3FA4] =	sst s1  }
0xa: {  	[smem:$0x3FA5] =	sst s2  }
0xb: {  	[smem:$0x3FA6] =	sst s3  }
0xc: {  	[smem:$0x3FA7] =	sst s4  }
0xd: {  	[smem:$0x3FA8] =	sst s5  }
0xe: {  	[smem:$0x3FA9] =	sst s6  }
0xf: {  	[smem:$0x3FAA] =	sst s7  }
0x10: {  	[smem:$0x3FAB] =	sst s8  }
0x11: {  	[smem:$0x3FAC] =	sst s9;
	s0 =	simm.s32 @!p0 $0x0  }
0x12: {  	s1 =	sld [smem:$0x3F92];
	s0 =	simm.s32 @p0 $0x1  }
0x13: {  	[smem:$0x3FAD] =	sst s0;
	s0 =	simm.s32 @!p1 $0x0  }
0x14: {  	s2 =	sld [smem:$0x3F91];
	s0 =	simm.s32 @p1 $0x1  }
0x15: {  	[smem:$0x3FAE] =	sst s0;
	s0 =	simm.s32 @!p2 $0x0  }
0x16: {  	s3 =	sld [smem:$0x3FDB];
	s0 =	simm.s32 @p2 $0x1  }
0x17: {  	s4 =	simm.s32 $0x1BF5;
	[smem:$0x3FB0] =	sst s0  }
0x18: {  	s0 =	sld [smem:$0x3F93];
	_ =	swait.ge [sflag:s4], $0x0  }
0x19: {  	s7 =	sld [smem:$0x3F94]  }
0x1a: {  	s8 =	sadd.s32 $0xFFFFE003, lr  }
0x1b: {  	s9 =	sadd.s32 $0xFFFFFEF7, lr;
	s5 =	simm.s32 $0xFFFFFFFF;
	p2 =	slt.u32 s8, $0xFFFFF086  }
0x1c: {  	p1 =	slt.u32 s9, $0xF7A;
	s5 =	simm.s32 @!p2 $0x0  }
0x1d: {  	s5 =	simm.s32 @p1 $0x1;
	p0 =	seq.s32 s7, s2  }
0x1e: {  	s7 =	smul.u32 @!p0 $0xF7A, s2;
	p2 =	seq.s32 @!p0 s5, $0x0  }
0x1f: {  	s9 =	smul.u32 $0xF7A, s1;
	s8 =	simm.s32 @!p0 $0x1BF5;
	p2 =	por !p2, p0  }
0x20: {  	[sflag:s8] =	ssyncset.s32 @!p0 $0xFFFFF086;
	s6 =	sadd.s32 @!p0 s3, s7;
	s7 =	simm.s32 @!p0 $0x108  }
0x21: {  	s3 =	sadd.s32 s3, s9;
	s6 =	sadd.s32 @!p0 $0x88, s6;
	s7 =	simm.s32 @p2 $0x1082  }
0x22: {  	[simem:s7], [sflag:s8] =	dma.local @!p0 [hbm:s6], $0xF7A  }
0x23: {  	s9 =	sor.u32 $0xD0000000, s2;
	s6 =	simm.s32 $0x108;
	_ =	swait.ge @!p0 [sflag:s8], $0x0  }
0x24: {  	s3 =	sadd.s32 $0x88, s3;
	s6 =	simm.s32 @!p1 $0x1082;
	[sflag:s4] =	ssyncset.s32 $0xFFFFF086  }
0x25: {  	[simem:s6], [sflag:s4] =	dma.local [hbm:s3], $0xF7A  }
0x26: {  	[smem:$0x3F94] =	sst s1;
	(tag) =	ssettag s2;
	_ =	strace s9  }
0x27: {  	s1 =	sld [smem:$0x3FA4]  }
0x28: {  	s2 =	sld [smem:$0x3FA5]  }
0x29: {  	s4 =	sld [smem:$0x3FA7]  }
0x2a: {  	p0 =	seq.s32 s5, $0x0;
	s5 =	sld [smem:$0x3FA8]  }
0x2b: {  	s6 =	sld [smem:$0x3FA9]  }
0x2c: {  	s7 =	sld [smem:$0x3FAA]  }
0x2d: {  	s3 =	simm.s32 $0x108;
	s8 =	sld [smem:$0x3FAB]  }
0x2e: {  	s3 =	simm.s32 @!p0 $0x1082;
	s9 =	sld [smem:$0x3FAC]  }
0x2f: {  	lr =	sadd.s32 s0, s3;
	s0 =	sld [smem:$0x3FA3]  }
0x30: {  	s3 =	sld [smem:$0x3FA6]  }
0x31: {  	[smem:$0x3FAF] =	sst s10  }
0x32: {  	s10 =	sld [smem:$0x3FAD];
	_ =	sdelay $0x3  }
0x33: {  	p0 =	seq.s32 s10, $0x1;
	s10 =	sld [smem:$0x3FAF];
	_ =	sdelay $0x3  }
0x34: {  	[smem:$0x3FAF] =	sst s10  }
0x35: {  	s10 =	sld [smem:$0x3FAE];
	_ =	sdelay $0x3  }
0x36: {  	p1 =	seq.s32 s10, $0x1;
	s10 =	sld [smem:$0x3FAF];
	_ =	sdelay $0x3  }
0x37: {  	[smem:$0x3FAF] =	sst s10  }
0x38: {  	s10 =	sld [smem:$0x3FB0]  }
0x39: {  	_ = 	snop;
	(pc) =	sbr.ind lr, $3  }
0x3a: {  	_ = 	snop  }
0x3b: {  	_ = 	snop  }
0x3c: {  	p2 =	seq.s32 s10, $0x1;
	s10 =	sld [smem:$0x3FAF]  }
0x3d: {  	_ =	shalt  }
0x3e: {  	_ =	shalt  }
0x3f: {  	_ =	shalt  }
0x40: {  	_ =	shalt  }
0x41: {  	_ =	shalt  }
0x42: {  	_ =	shalt  }
0x43: {  	_ =	shalt  }
0x44: {  	_ =	shalt  }
0x45: {  	_ =	shalt  }
0x46: {  	_ =	shalt  }
0x47: {  	_ =	shalt  }
0x48: {  	_ =	shalt  }
0x49: {  	_ =	shalt  }
0x4a: {  	_ =	shalt  }
0x4b: {  	_ =	shalt  }
0x4c: {  	_ =	shalt  }
0x4d: {  	_ =	shalt  }
0x4e: {  	_ =	shalt  }
0x4f: {  	_ =	shalt  }
0x50: {  	_ =	shalt  }
0x51: {  	_ =	shalt  }
0x52: {  	_ =	shalt  }
0x53: {  	_ =	shalt  }
0x54: {  	_ =	shalt  }
0x55: {  	_ =	shalt  }
0x56: {  	_ =	shalt  }
0x57: {  	_ =	shalt  }
0x58: {  	_ =	shalt  }
0x59: {  	_ =	shalt  }
0x5a: {  	_ =	shalt  }
0x5b: {  	_ =	shalt  }
0x5c: {  	_ =	shalt  }
0x5d: {  	_ =	shalt  }
0x5e: {  	_ =	shalt  }
0x5f: {  	_ =	shalt  }
0x60: {  	_ =	shalt  }
0x61: {  	_ =	shalt  }
0x62: {  	_ =	shalt  }
0x63: {  	_ =	shalt  }
0x64: {  	_ =	shalt  }
0x65: {  	_ =	shalt  }
0x66: {  	_ =	shalt  }
0x67: {  	_ =	shalt  }
0x68: {  	_ =	shalt  }
0x69: {  	_ =	shalt  }
0x6a: {  	_ =	shalt  }
0x6b: {  	_ =	shalt  }
0x6c: {  	_ =	shalt  }
0x6d: {  	_ =	shalt  }
0x6e: {  	_ =	shalt  }
0x6f: {  	_ =	shalt  }
0x70: {  	_ =	shalt  }
0x71: {  	_ =	shalt  }
0x72: {  	_ =	shalt  }
0x73: {  	_ =	shalt  }
0x74: {  	_ =	shalt  }
0x75: {  	_ =	shalt  }
0x76: {  	_ =	shalt  }
0x77: {  	_ =	shalt  }
0x78: {  	_ =	shalt  }
0x79: {  	_ =	shalt  }
0x7a: {  	_ =	shalt  }
0x7b: {  	_ =	shalt  }
0x7c: {  	_ =	shalt  }
0x7d: {  	_ =	shalt  }
0x7e: {  	_ =	shalt  }
0x7f: {  	_ =	shalt  }
0x80: {  	_ =	shalt  }
0x81: {  	_ =	shalt  }
0x82: {  	_ =	shalt  }
0x83: {  	_ =	shalt  }
0x84: {  	_ =	shalt  }
0x85: {  	_ =	shalt  }
0x86: {  	_ =	shalt  }
0x87: {  	_ =	shalt  }
.Lfunc_end0:
.L_simem_size_0:
called_computation_lowered:
.L_overlay_start_0:
0x88: {  	s2 =	sld [smem:$0x3FD9]  }
0x89: {  	s3 =	sld [smem:$0x3FFE];
	_ =	sdelay $0x1  }
0x8a: {  	s1 =	srdreg.scid  }
0x8b: {  	s0 =	sand.u32 $0x1, s1  }
0x8c: {  	s17 =	sshll.u32 s0, $0xA;
	s2 =	sadd.s32 s3, s2  }
0x8d: {  	s2 =	sadd.s32 s2, s17  }
0x8e: {  	[smem:$0x3FBB] =	sst s2  }
0x8f: {  	_ = 	snop  }
0x90: {  	s18 =	sld [smem:$0x3FD0];
	(tm) =	ssettm $0x1  }
0x91: {  	s19 =	sld [smem:$0x3FFB];
	_ =	sdelay $0x3  }
0x92: {  	_ =	strace s19  }
0x93: {  	s2 =	sld [smem:$0x3FFC];
	_ =	sdelay $0x3  }
0x94: {  	_ =	strace s2  }
0x95: {  	s2 =	sld [smem:$0x3FFD];
	_ =	sdelay $0x3  }
0x96: {  	_ =	strace s2  }
0x97: {  	_ =	strace $0x8FFFFFFF  }
0x98: {  	s20 =	sld [smem:$0x3FDB];
	_ =	sdelay $0x1  }
0x99: {  	s4 =	simm.s32 $_scs_section_size  }
0x9a: {  	s5 =	simm.s32 $_size__tile_overlayer_lowered;
	s6 =	simm.s32 $_tile_overlayer_lowered  }
0x9b: {  	s7 =	simm.s32 $0x1BFF;
	s21 =	sshll.u32 s6, $0x1;
	s4 =	sadd.s32 s4, s20  }
0x9c: {  	s22 =	simm.s32 $0x0;
	s5 =	sshll.u32 s5, $0x1;
	s6 =	sadd.s32 s21, s4  }
0x9d: {  	[timem:s22], [sflag:s7] =	dma.local [hbm:s6], s5  }
0x9e: {  	_ =	swait.ge [sflag:s7], s5  }
0x9f: {  	s5 =	ssub.s32 $0x0, s5;
	[sflag:s7] =	ssyncset.done $0x0  }
0xa0: {  	[sflag:s7] =	ssyncadd.s32 s5;
	_ =	sdelay $0x1  }
0xa1: {  	s23 =	simm.s32 $0x1B8B  }
0xa2: {  	_ =	swait.ge [sflag:s23], $0x1  }
0xa3: {  	[sflag:s23] =	ssyncset.done $0x0  }
0xa4: {  	[sflag:s23] =	ssyncadd.s32 $0xFFFFFFFF  }
0xa5: {  	s5 =	sld [smem:$0x0]  }
0xa6: {  	s6 =	sand.u32 $0xFFFFFFFE, s1  }
0xa7: {  	p0 =	sne.s32 s1, s6  }
0xa8: {  	s6 =	sshll.u32 @p0 s6, $0xE  }
0xa9: {  	s6 =	sadd.s32 @p0 $0x11B8D, s6;
	s7 =	sshll.u32 @p0 s5, $0x11  }
0xaa: {  	s6 =	sor.u32 @p0 s7, s6  }
0xab: {  	[sflag:s6] =	ssyncadd.remote.s32 @p0 $0x1;
	_ =	sdelay $0x1  }
0xac: {  	s6 =	simm.s32 @p0 $0x1B8D  }
0xad: {  	_ =	swait.eq @p0 [sflag:s6], $0x1  }
0xae: {  	[sflag:s6] =	ssyncadd.s32 @p0 $0xFFFFFFFF  }
0xaf: {  	s7 =	sshll.u32 @!p0 s1, $0xE  }
0xb0: {  	s7 =	sor.u32 @!p0 $0x4000, s7;
	s6 =	simm.s32 @!p0 $0x1B8D  }
0xb1: {  	s5 =	sshll.u32 @!p0 s5, $0x11;
	s7 =	sadd.s32 @!p0 $0x11B8D, s7;
	_ =	swait.eq @!p0 [sflag:s6], $0x1  }
0xb2: {  	s5 =	sor.u32 @!p0 s5, s7;
	[sflag:s6] =	ssyncadd.s32 @!p0 $0xFFFFFFFF  }
0xb3: {  	s25 =	simm.s32 $0x1B8E;
	s24 =	sld [smem:$0x3FFE];
	[sflag:s5] =	ssyncadd.remote.s32 @!p0 $0x1  }
0xb4: {  	s26 =	simm.s32 $execute0_lowered;
	[smem:$0x3FD2] =	sst s25  }
0xb5: {  	s6 =	sshll.u32 s26, $0x1;
	_ =	strace $0x80000049;
	[dreg:$0x1] =	wrdreg $0xFFFFFFFF  }
0xb6: {  	s28 =	simm.s32 $_size_execute0_lowered;
	s4 =	sadd.s32 s4, s6;
	[dreg:$0x0] =	wrdreg $0x0  }
0xb7: {  	s6 =	sshll.u32 s28, $0x1;
	[dreg:$0x2] =	wrdreg s4  }
0xb8: {  	[dreg:$0x3] =	wrdreg s6  }
0xb9: {  	[dreg:$0x4] =	wrdreg $0xC0  }
0xba: {  	_ =	task [dreg:s22], $0x5FFFF  }
0xbb: {  	[dreg:$0x1] =	wrdreg $0xFFFFFFFF  }
0xbc: {  	[dreg:$0x0] =	wrdreg $0x60  }
0xbd: {  	[dreg:$0x2] =	wrdreg s18  }
0xbe: {  	[dreg:$0x3] =	wrdreg s24  }
0xbf: {  	[dreg:$0x4] =	wrdreg $0x0  }
0xc0: {  	[dreg:$0x5] =	wrdreg $0x9  }
0xc1: {  	_ =	task.clear_ibuf [dreg:s22], $0x6FFFF;
	_ =	strace $0x90000049  }
0xc2: {  	s29 =	simm.s32 $0x9;
	_ =	strace $0x8000004B  }
0xc3: {  	_ =	swait.ge [sflag:s29], $0x1  }
0xc4: {  	[sflag:s29] =	ssyncadd.s32 $0xFFFFFFFF  }
0xc5: {  	_ =	strace $0x9000004B  }
0xc6: {  	_ =	sfence  }
0xc7: {  	s30 =	sld [smem:$0x0];
	_ =	sdelay $0x2  }
0xc8: {  	s31 =	sshll.u32 s1, $0xD;
	s1 =	sshrl.u32 s1, $0x2  }
0xc9: {  	s4 =	sand.u32 $0x4000, s31;
	s1 =	sadd.s32 s1, s30  }
0xca: {  	s0 =	sor.u32 s4, s0;
	s1 =	sshll.u32 s1, $0x11  }
0xcb: {  	s0 =	sor.u32 s1, s0  }
0xcc: {  	s0 =	sadd.s32 $0x8F2B, s0  }
0xcd: {  	[sflag:s0] =	ssyncadd.remote.s32 $0x1  }
0xce: {  	_ =	sfence.sel $0xFFFF  }
0xcf: {  	[dreg:$0x0] =	wrdreg $0xFFFFFFFF;
	(pc) =	sbr.abs _section_cstart, $3  }
0xd0: {  	[dreg:$0x1] =	wrdreg $0xFFFFFFFF  }
0xd1: {  	_ =	task.clear_ibuf [dreg:s22], $0x2FFFF;
	_ =	strace $0x9FFFFFFF  }
0xd2: {  	(tm) =	ssettm $0x7FFFFFFF  }
0xd3: {  	_ =	shalt  }
tec
execute0_lowered:
.L_overlay_start_1:
0x0: {  	(tag) =	ssettag $0x1  }
0x1: {  	s1 =	rddreg [dreg:$0x0]  }
0x2: {  	s0 =	srdreg.scid;
	s2 =	rddreg [dreg:$0x1]  }
0x3: {  	s13 =	stileid.u32;
	s3 =	rddreg [dreg:$0x2]  }
0x4: {  	s18 =	simm.s32 $0x3;
	s19 =	simm.s32 $0x14000;
	s20 =	simm.s32 $0x28  }
0x5: {  	s21 =	simm.s32 $0x15400;
	s28 =	simm.s32 $0x1A480;
	s29 =	simm.s32 $0x1  }
0x6: {  	s30 =	simm.s32 $0x2;
	s31 =	simm.s32 $0x0;
	s0 =	sand.u32 $0x1, s0  }
0x7: {  	s4 =	sshll.u32 s13, $0x1;
	s9 =	smul.u32 $0x2800, s13;
	s6 =	sadd.s32 $0x710C00, s2  }
0x8: {  	s7 =	sadd.s32 $0x54400, s2;
	s22 =	smul.u32 $0x50000, s13;
	s14 =	sadd.s32 $0x1C00, s2  }
0x9: {  	s13 =	sshll.u32 s13, $0x6;
	s8 =	sor.u32 s0, s4;
	s11 =	smul.u32 $0x28000, s0  }
0xa: {  	s4 =	simm.s32 $0x0;
	s0 =	ssub.s32 $0x2, s0;
	s5 =	smul.u32 $0x1388, s8  }
0xb: {  	[smem:$0x7FF] =	sst s4;
	s23 =	sshrl.u32 s0, $0x1;
	s8 =	smul.u32 $0x13880, s8  }
0xc: {  	_ =	strace $0x8000004A;
	s9 =	sadd.s32 s9, s11;
	[dreg:$0x4] =	wrdreg s14  }
0xd: {  	s11 =	sshrl.u32 s22, $0x2;
	s0 =	ssub.s32 s0, s23;
	s22 =	simm.s32 $0x17C00  }
0xe: {  	s23 =	simm.s32 $0x1A400;
	s10 =	sshrl.u32 s5, $0x3;
	s17 =	sadd.s32 s11, s3  }
0xf: {  	s8 =	sadd.s32 s6, s8;
	s25 =	sadd.s32 $0x28, s5;
	s16 =	smax.u32 s0, $0x1  }
0x10: {  	s12 =	sadd.s32 s10, s2;
	s2 =	sadd.s32 s9, s2;
	s9 =	sor.u32 $0x1C03, s13  }
0x11: {  	[dreg:$0x6] =	wrdreg s8;
	s26 =	sshll.u32 s25, $0x4;
	s8 =	sshrl.u32 s25, $0x3  }
0x12: {  	s17 =	sshrl.u32 s17, $0x3;
	s25 =	simm.s32 $0x16800;
	s24 =	sadd.s32 $0x59400, s12  }
0x13: {  	s12 =	sadd.s32 s7, s10;
	s13 =	sadd.s32 s6, s26;
	s14 =	sadd.s32 s7, s8  }
0x14: {  	s15 =	sadd.s32 $0x5E400, s2;
	s26 =	simm.s32 $0x19000;
	[dreg:$0x5] =	wrdreg s24  }
.LBB2_1:
0x15: {  	s0 =	rddreg [dreg:$0x4]  }
0x16: {  	[spmem:s17], [sflag:s9] =	dma.local [hbm:s0], $0x2800  }
0x17: {  	_ =	swait.ge [sflag:s18], $0x2800  }
0x18: {  	[sflag:s18] =	ssyncset.done $0x0  }
0x19: {  	s10 =	rddreg [dreg:$0x5];
	[sflag:s18] =	ssyncadd.s32 $0xFFFFD800  }
0x1a: {  	[tilespmem:s19], [sflag:$0x3] =	stream.linear.gather [hbm4b:s10+s4], $0x1388, $0x38;
	[tilespmem:$0x1A500] =	vst v63  }
0x1b: {  	_ =	swait.ge [sflag:s18], $0x1388  }
0x1c: {  	[sflag:s18] =	ssyncset.done $0x0  }
0x1d: {  	[sflag:s18] =	ssyncadd.s32 $0xFFFFEC78  }
0x1e: {  	[bflag:$0x0] =	sbarrier.arrive $0xFFFF  }
0x1f: {  	[tilespmem:s21], [sflag:$0x1] =	stream.indirect.gather [hbm4b:s1+s20], $0x80, s19, s20, $0xb8;
	[tilespmem:$0x1A500] =	vst v63  }
0x20: {  	s11 =	rddreg [dreg:$0x6]  }
0x21: {  	[tilespmem:s22], [sflag:$0x1] =	stream.linear.gather [hbm4b:s11+s4], $0x1400, $0x38;
	[tilespmem:$0x1A500] =	vst v63  }
0x22: {  	_ = 	snop  }
0x23: {  	[tilespmem:s23], [sflag:$0x1] =	stream.linear.gather [hbm4b:s12+s4], $0x28, $0x38;
	[tilespmem:$0x1A500] =	vst v63  }
0x24: {  	s24 =	simm.s32 $0x14028  }
0x25: {  	[tilespmem:s25], [sflag:$0x2] =	stream.indirect.gather [hbm4b:s1+s20], $0x80, s24, s20, $0xb8;
	[tilespmem:$0x1A500] =	vst v63  }
0x26: {  	_ = 	snop  }
0x27: {  	[tilespmem:s26], [sflag:$0x2] =	stream.linear.gather [hbm4b:s13+s4], $0x1400, $0x38;
	[tilespmem:$0x1A500] =	vst v63  }
0x28: {  	s2 =	simm.s32 $0x0  }
0x29: {  	[tilespmem:s28], [sflag:$0x2] =	stream.linear.gather [hbm4b:s14+s4], $0x28, $0x38;
	[tilespmem:$0x1A500] =	vst v63  }
.LBB2_2:
0x2a: {  	_ =	swait.ge [sflag:s29], $0x1400  }
0x2b: {  	[sflag:s29] =	ssyncset.done $0x0  }
0x2c: {  	[sflag:s29] =	ssyncadd.s32 $0xFFFFEC00  }
0x2d: {  	_ =	swait.ge [sflag:s29], $0x1400  }
0x2e: {  	[sflag:s29] =	ssyncset.done $0x0  }
0x2f: {  	[sflag:s29] =	ssyncadd.s32 $0xFFFFEC00  }
0x30: {  	_ =	swait.ge [sflag:s29], $0x28  }
0x31: {  	[sflag:s29] =	ssyncset.done $0x0  }
0x32: {  	s0 =	simm.s32 $0x0;
	[sflag:s29] =	ssyncadd.s32 $0xFFFFFFD8  }
0x33: {  	v7 =	vld [tilespmem:s0+$0x17C00]  }
0x34: {  	v11 =	vld [tilespmem:s0+$0x17C10]  }
0x35: {  	v5 =	vld [tilespmem:s0+$0x17C20]  }
0x36: {  	v4 =	vld [tilespmem:s0+$0x17C30]  }
0x37: {  	v3 =	vld [tilespmem:s0+$0x17C40]  }
0x38: {  	v2 =	vld [tilespmem:s0+$0x17C50]  }
0x39: {  	v1 =	vld [tilespmem:s0+$0x17C60]  }
0x3a: {  	v0 =	vld [tilespmem:s0+$0x17C70]  }
0x3b: {  	v12 =	vld [tilespmem:s0+$0x15400]  }
0x3c: {  	v13 =	vld [tilespmem:s0+$0x15410]  }
0x3d: {  	v10 =	vld [tilespmem:s0+$0x15420]  }
0x3e: {  	v9 =	vld [tilespmem:s0+$0x15430]  }
0x3f: {  	v8 =	vld [tilespmem:s0+$0x15440]  }
0x40: {  	v6 =	vld [tilespmem:s0+$0x15450];
	v12 =	vmul.f32 v7, v12  }
0x41: {  	s8 =	simm.s32 $0x200;
	v11 =	vmul.f32 v11, v13;
	v7 =	vld [tilespmem:s0+$0x15460]  }
.LBB2_3:
0x42: {  	s10 =	sshra.s32 s8, $0x2;
	p0 =	sne.s32 s8, $0x4E00;
	[tilespmem:s0+$0x15400] =	vst v12;
	v5 =	vmul.f32 v5, v10;
	v10 =	vld [tilespmem:s0+$0x15470]  }
0x43: {  	v12 =	vld [tilespmem:s10+$0x17C00];
	[tilespmem:s0+$0x15410] =	vst v11;
	v4 =	vmul.f32 v4, v9  }
0x44: {  	v11 =	vld [tilespmem:s10+$0x17C10];
	[tilespmem:s0+$0x15420] =	vst v5;
	v3 =	vmul.f32 v3, v8  }
0x45: {  	v5 =	vld [tilespmem:s10+$0x17C20];
	[tilespmem:s0+$0x15430] =	vst v4;
	v2 =	vmul.f32 v2, v6  }
0x46: {  	v4 =	vld [tilespmem:s10+$0x17C30];
	[tilespmem:s0+$0x15440] =	vst v3;
	v1 =	vmul.f32 v1, v7  }
0x47: {  	v3 =	vld [tilespmem:s10+$0x17C40];
	[tilespmem:s0+$0x15450] =	vst v2;
	v0 =	vmul.f32 v0, v10  }
0x48: {  	v2 =	vld [tilespmem:s10+$0x17C50];
	[tilespmem:s0+$0x15460] =	vst v1  }
0x49: {  	v1 =	vld [tilespmem:s10+$0x17C60];
	[tilespmem:s0+$0x15470] =	vst v0;
	s0 =	smov.u32 s10  }
0x4a: {  	v0 =	vld [tilespmem:s0+$0x17C70]  }
0x4b: {  	v6 =	vld [tilespmem:s0+$0x15400]  }
0x4c: {  	v7 =	vld [tilespmem:s0+$0x15410]  }
.Ltmp0:
0x4d: {  	v10 =	vld [tilespmem:s0+$0x15420];
	(pc) =	sbr.rel @p0 .LBB2_3-.Ltmp0, $4  }
0x4e: {  	v9 =	vld [tilespmem:s0+$0x15430]  }
0x4f: {  	v8 =	vld [tilespmem:s0+$0x15440]  }
0x50: {  	v12 =	vmul.f32 v12, v6;
	v6 =	vld [tilespmem:s0+$0x15450]  }
0x51: {  	s8 =	sadd.s32 $0x200, s8;
	v11 =	vmul.f32 v11, v7;
	v7 =	vld [tilespmem:s0+$0x15460]  }
0x52: {  	[tilespmem:s0+$0x15400] =	vst v12;
	v5 =	vmul.f32 v5, v10;
	v10 =	vld [tilespmem:s0+$0x15470]  }
0x53: {  	[tilespmem:s0+$0x15410] =	vst v11;
	v4 =	vmul.f32 v4, v9  }
0x54: {  	[tilespmem:s0+$0x15420] =	vst v5;
	v3 =	vmul.f32 v3, v8  }
0x55: {  	[tilespmem:s0+$0x15430] =	vst v4;
	v2 =	vmul.f32 v2, v6  }
0x56: {  	[tilespmem:s0+$0x15440] =	vst v3;
	v1 =	vmul.f32 v1, v7  }
0x57: {  	[tilespmem:s0+$0x15450] =	vst v2;
	v0 =	vmul.f32 v0, v10  }
0x58: {  	[tilespmem:s0+$0x15460] =	vst v1  }
0x59: {  	[tilespmem:s0+$0x15470] =	vst v0  }
0x5a: {  	[spmem:s3] =	stream.indirect.scatter.add.f32 [tilespmem:s21], [sflag:$0x3], $0x80, s23, s20, $0xb8;
	[tilespmem:$0x1A500] =	vst v63  }
0x5b: {  	s0 =	smul.u32 $0x50, s2;
	_ =	swait.ge [sflag:s18], $0x1400  }
0x5c: {  	[sflag:s18] =	ssyncset.done $0x0  }
0x5d: {  	s24 =	sadd.s32 s5, s0;
	s8 =	sadd.s32 $0x14050, s0;
	[sflag:s18] =	ssyncadd.s32 $0xFFFFEC00  }
0x5e: {  	[tilespmem:s21], [sflag:$0x1] =	stream.indirect.gather [hbm4b:s1+s20], $0x80, s8, s20, $0xb8;
	[tilespmem:$0x1A500] =	vst v63  }
0x5f: {  	s8 =	sadd.s32 $0x50, s24  }
0x60: {  	s10 =	sshll.u32 s8, $0x4  }
0x61: {  	s11 =	simm.s32 $0x0;
	s8 =	sshrl.u32 s8, $0x3;
	s10 =	sadd.s32 s6, s10  }
0x62: {  	[tilespmem:s22], [sflag:$0x1] =	stream.linear.gather [hbm4b:s10+s11], $0x1400, $0x38;
	[tilespmem:$0x1A500] =	vst v63  }
0x63: {  	s8 =	sadd.s32 s7, s8  }
0x64: {  	[tilespmem:s23], [sflag:$0x1] =	stream.linear.gather [hbm4b:s8+s11], $0x28, $0x38;
	[tilespmem:$0x1A500] =	vst v63  }
0x65: {  	_ =	swait.ge [sflag:s30], $0x1400  }
0x66: {  	[sflag:s30] =	ssyncset.done $0x0  }
0x67: {  	[sflag:s30] =	ssyncadd.s32 $0xFFFFEC00  }
0x68: {  	_ =	swait.ge [sflag:s30], $0x1400  }
0x69: {  	[sflag:s30] =	ssyncset.done $0x0  }
0x6a: {  	[sflag:s30] =	ssyncadd.s32 $0xFFFFEC00  }
0x6b: {  	_ =	swait.ge [sflag:s30], $0x28  }
0x6c: {  	[sflag:s30] =	ssyncset.done $0x0  }
0x6d: {  	s8 =	simm.s32 $0x0;
	[sflag:s30] =	ssyncadd.s32 $0xFFFFFFD8  }
0x6e: {  	v7 =	vld [tilespmem:s8+$0x19000]  }
0x6f: {  	v11 =	vld [tilespmem:s8+$0x19010]  }
0x70: {  	v5 =	vld [tilespmem:s8+$0x19020]  }
0x71: {  	v4 =	vld [tilespmem:s8+$0x19030]  }
0x72: {  	v3 =	vld [tilespmem:s8+$0x19040]  }
0x73: {  	v2 =	vld [tilespmem:s8+$0x19050]  }
0x74: {  	v1 =	vld [tilespmem:s8+$0x19060]  }
0x75: {  	v0 =	vld [tilespmem:s8+$0x19070]  }
0x76: {  	v12 =	vld [tilespmem:s8+$0x16800]  }
0x77: {  	v13 =	vld [tilespmem:s8+$0x16810]  }
0x78: {  	v10 =	vld [tilespmem:s8+$0x16820]  }
0x79: {  	v9 =	vld [tilespmem:s8+$0x16830]  }
0x7a: {  	v8 =	vld [tilespmem:s8+$0x16840]  }
0x7b: {  	v6 =	vld [tilespmem:s8+$0x16850];
	v12 =	vmul.f32 v7, v12  }
0x7c: {  	s10 =	simm.s32 $0x200;
	v11 =	vmul.f32 v11, v13;
	v7 =	vld [tilespmem:s8+$0x16860]  }
.LBB2_5:
0x7d: {  	s11 =	sshra.s32 s10, $0x2;
	p0 =	sne.s32 s10, $0x4E00;
	[tilespmem:s8+$0x16800] =	vst v12;
	v5 =	vmul.f32 v5, v10;
	v10 =	vld [tilespmem:s8+$0x16870]  }
0x7e: {  	v12 =	vld [tilespmem:s11+$0x19000];
	[tilespmem:s8+$0x16810] =	vst v11;
	v4 =	vmul.f32 v4, v9  }
0x7f: {  	v11 =	vld [tilespmem:s11+$0x19010];
	[tilespmem:s8+$0x16820] =	vst v5;
	v3 =	vmul.f32 v3, v8  }
0x80: {  	v5 =	vld [tilespmem:s11+$0x19020];
	[tilespmem:s8+$0x16830] =	vst v4;
	v2 =	vmul.f32 v2, v6  }
0x81: {  	v4 =	vld [tilespmem:s11+$0x19030];
	[tilespmem:s8+$0x16840] =	vst v3;
	v1 =	vmul.f32 v1, v7  }
0x82: {  	v3 =	vld [tilespmem:s11+$0x19040];
	[tilespmem:s8+$0x16850] =	vst v2;
	v0 =	vmul.f32 v0, v10  }
0x83: {  	v2 =	vld [tilespmem:s11+$0x19050];
	[tilespmem:s8+$0x16860] =	vst v1  }
0x84: {  	v1 =	vld [tilespmem:s11+$0x19060];
	[tilespmem:s8+$0x16870] =	vst v0;
	s8 =	smov.u32 s11  }
0x85: {  	v0 =	vld [tilespmem:s8+$0x19070]  }
0x86: {  	v6 =	vld [tilespmem:s8+$0x16800]  }
0x87: {  	v7 =	vld [tilespmem:s8+$0x16810]  }
.Ltmp1:
0x88: {  	v10 =	vld [tilespmem:s8+$0x16820];
	(pc) =	sbr.rel @p0 .LBB2_5-.Ltmp1, $4  }
0x89: {  	v9 =	vld [tilespmem:s8+$0x16830]  }
0x8a: {  	v8 =	vld [tilespmem:s8+$0x16840]  }
0x8b: {  	v12 =	vmul.f32 v12, v6;
	v6 =	vld [tilespmem:s8+$0x16850]  }
0x8c: {  	s10 =	sadd.s32 $0x200, s10;
	v11 =	vmul.f32 v11, v7;
	v7 =	vld [tilespmem:s8+$0x16860]  }
0x8d: {  	[tilespmem:s8+$0x16800] =	vst v12;
	v5 =	vmul.f32 v5, v10;
	v63 =	vld [tilespmem:s8+$0x16870]  }
0x8e: {  	[tilespmem:s8+$0x16810] =	vst v11;
	v4 =	vmul.f32 v4, v9  }
0x8f: {  	[tilespmem:s8+$0x16820] =	vst v5;
	v3 =	vmul.f32 v3, v8  }
0x90: {  	[tilespmem:s8+$0x16830] =	vst v4;
	v2 =	vmul.f32 v2, v6  }
0x91: {  	[tilespmem:s8+$0x16840] =	vst v3;
	v1 =	vmul.f32 v1, v7  }
0x92: {  	[tilespmem:s8+$0x16850] =	vst v2;
	v0 =	vmul.f32 v0, v63  }
0x93: {  	p0 =	seq.s32 s2, $0x3D;
	[tilespmem:s8+$0x16860] =	vst v1  }
.Ltmp2:
0x94: {  	[tilespmem:s8+$0x16870] =	vst v0;
	(pc) =	sbr.rel @p0 .LBB2_8-.Ltmp2, $4  }
0x95: {  	[spmem:s3] =	stream.indirect.scatter.add.f32 [tilespmem:s25], [sflag:$0x3], $0x80, s28, s20, $0xb8;
	[tilespmem:$0x1A500] =	vst v63  }
0x96: {  	_ =	swait.ge [sflag:s18], $0x1400  }
0x97: {  	[sflag:s18] =	ssyncset.done $0x0  }
0x98: {  	[sflag:s18] =	ssyncadd.s32 $0xFFFFEC00  }
0x99: {  	s0 =	sadd.s32 $0x14078, s0;
	s24 =	sadd.s32 $0x78, s24  }
0x9a: {  	[tilespmem:s25], [sflag:$0x2] =	stream.indirect.gather [hbm4b:s1+s20], $0x80, s0, s20, $0xb8;
	[tilespmem:$0x1A500] =	vst v63  }
.Ltmp3:
0x9b: {  	s8 =	sshll.u32 s24, $0x4;
	(pc) =	sbr.rel .LBB2_2-.Ltmp3, $4  }
0x9c: {  	s0 =	sshrl.u32 s24, $0x3;
	s8 =	sadd.s32 s6, s8  }
0x9d: {  	[tilespmem:s26], [sflag:$0x2] =	stream.linear.gather [hbm4b:s8+s4], $0x1400, $0x38;
	[tilespmem:$0x1A500] =	vst v63  }
0x9e: {  	s2 =	sadd.s32 $0x1, s2;
	s0 =	sadd.s32 s7, s0  }
0x9f: {  	[tilespmem:s28], [sflag:$0x2] =	stream.linear.gather [hbm4b:s0+s4], $0x28, $0x38;
	[tilespmem:$0x1A500] =	vst v63  }
.LBB2_8:
0xa0: {  	_ =	swait.ge [sflag:s29], $0x1400  }
0xa1: {  	[sflag:s29] =	ssyncset.done $0x0  }
0xa2: {  	[sflag:s29] =	ssyncadd.s32 $0xFFFFEC00  }
0xa3: {  	_ =	swait.ge [sflag:s29], $0x1400  }
0xa4: {  	[sflag:s29] =	ssyncset.done $0x0  }
0xa5: {  	[sflag:s29] =	ssyncadd.s32 $0xFFFFEC00  }
0xa6: {  	_ =	swait.ge [sflag:s29], $0x28  }
0xa7: {  	[sflag:s29] =	ssyncset.done $0x0  }
0xa8: {  	s0 =	simm.s32 $0x0;
	[sflag:s29] =	ssyncadd.s32 $0xFFFFFFD8  }
0xa9: {  	v7 =	vld [tilespmem:s0+$0x17C00]  }
0xaa: {  	v11 =	vld [tilespmem:s0+$0x17C10]  }
0xab: {  	v5 =	vld [tilespmem:s0+$0x17C20]  }
0xac: {  	v4 =	vld [tilespmem:s0+$0x17C30]  }
0xad: {  	v3 =	vld [tilespmem:s0+$0x17C40]  }
0xae: {  	v2 =	vld [tilespmem:s0+$0x17C50]  }
0xaf: {  	v1 =	vld [tilespmem:s0+$0x17C60]  }
0xb0: {  	v0 =	vld [tilespmem:s0+$0x17C70]  }
0xb1: {  	v12 =	vld [tilespmem:s0+$0x15400]  }
0xb2: {  	v13 =	vld [tilespmem:s0+$0x15410]  }
0xb3: {  	v10 =	vld [tilespmem:s0+$0x15420]  }
0xb4: {  	v9 =	vld [tilespmem:s0+$0x15430]  }
0xb5: {  	v8 =	vld [tilespmem:s0+$0x15440]  }
0xb6: {  	v6 =	vld [tilespmem:s0+$0x15450];
	v12 =	vmul.f32 v7, v12  }
0xb7: {  	s2 =	simm.s32 $0x200;
	v11 =	vmul.f32 v11, v13;
	v7 =	vld [tilespmem:s0+$0x15460]  }
.LBB2_9:
0xb8: {  	s8 =	sshra.s32 s2, $0x2;
	p0 =	sne.s32 s2, $0x4E00;
	[tilespmem:s0+$0x15400] =	vst v12;
	v5 =	vmul.f32 v5, v10;
	v10 =	vld [tilespmem:s0+$0x15470]  }
0xb9: {  	v12 =	vld [tilespmem:s8+$0x17C00];
	[tilespmem:s0+$0x15410] =	vst v11;
	v4 =	vmul.f32 v4, v9  }
0xba: {  	v11 =	vld [tilespmem:s8+$0x17C10];
	[tilespmem:s0+$0x15420] =	vst v5;
	v3 =	vmul.f32 v3, v8  }
0xbb: {  	v5 =	vld [tilespmem:s8+$0x17C20];
	[tilespmem:s0+$0x15430] =	vst v4;
	v2 =	vmul.f32 v2, v6  }
0xbc: {  	v4 =	vld [tilespmem:s8+$0x17C30];
	[tilespmem:s0+$0x15440] =	vst v3;
	v1 =	vmul.f32 v1, v7  }
0xbd: {  	v3 =	vld [tilespmem:s8+$0x17C40];
	[tilespmem:s0+$0x15450] =	vst v2;
	v0 =	vmul.f32 v0, v10  }
0xbe: {  	v2 =	vld [tilespmem:s8+$0x17C50];
	[tilespmem:s0+$0x15460] =	vst v1  }
0xbf: {  	v1 =	vld [tilespmem:s8+$0x17C60];
	[tilespmem:s0+$0x15470] =	vst v0;
	s0 =	smov.u32 s8  }
0xc0: {  	v0 =	vld [tilespmem:s0+$0x17C70]  }
0xc1: {  	v6 =	vld [tilespmem:s0+$0x15400]  }
0xc2: {  	v7 =	vld [tilespmem:s0+$0x15410]  }
.Ltmp4:
0xc3: {  	v10 =	vld [tilespmem:s0+$0x15420];
	(pc) =	sbr.rel @p0 .LBB2_9-.Ltmp4, $4  }
0xc4: {  	v9 =	vld [tilespmem:s0+$0x15430]  }
0xc5: {  	v8 =	vld [tilespmem:s0+$0x15440]  }
0xc6: {  	v12 =	vmul.f32 v12, v6;
	v6 =	vld [tilespmem:s0+$0x15450]  }
0xc7: {  	s2 =	sadd.s32 $0x200, s2;
	v11 =	vmul.f32 v11, v7;
	v7 =	vld [tilespmem:s0+$0x15460]  }
0xc8: {  	[tilespmem:s0+$0x15400] =	vst v12;
	v5 =	vmul.f32 v5, v10;
	v63 =	vld [tilespmem:s0+$0x15470]  }
0xc9: {  	[tilespmem:s0+$0x15410] =	vst v11;
	v4 =	vmul.f32 v4, v9  }
0xca: {  	[tilespmem:s0+$0x15420] =	vst v5;
	v3 =	vmul.f32 v3, v8  }
0xcb: {  	[tilespmem:s0+$0x15430] =	vst v4;
	v2 =	vmul.f32 v2, v6  }
0xcc: {  	[tilespmem:s0+$0x15440] =	vst v3;
	v1 =	vmul.f32 v1, v7  }
0xcd: {  	[tilespmem:s0+$0x15450] =	vst v2;
	v0 =	vmul.f32 v0, v63  }
0xce: {  	[tilespmem:s0+$0x15460] =	vst v1  }
0xcf: {  	[tilespmem:s0+$0x15470] =	vst v0  }
0xd0: {  	[spmem:s3] =	stream.indirect.scatter.add.f32 [tilespmem:s21], [sflag:$0x3], $0x80, s23, s20, $0xb8;
	[tilespmem:$0x1A500] =	vst v63  }
0xd1: {  	_ =	swait.ge [sflag:s18], $0x1400  }
0xd2: {  	s31 =	sadd.s32 $0x1, s31;
	[sflag:s18] =	ssyncset.done $0x0  }
0xd3: {  	p0 =	sne.s32 s31, s16;
	[sflag:s18] =	ssyncadd.s32 $0xFFFFEC00  }
.Ltmp5:
0xd4: {  	[bflag:$0x0] =	sbarrier.arrive $0xFFFF;
	(pc) =	sbr.rel @p0 .LBB2_1-.Ltmp5, $4  }
0xd5: {  	[hbm:s15], [sflag:s9] =	dma.local [spmem:s17], $0x2800  }
0xd6: {  	_ =	swait.ge [sflag:s18], $0x2800  }
0xd7: {  	[sflag:s18] =	ssyncset.done $0x0  }
0xd8: {  	[sflag:s18] =	ssyncadd.s32 $0xFFFFD800  }
0xd9: {  	_ =	sfence.sel $0x180000  }
0xda: {  	[bflag:$0x0] =	sbarrier.arrive $0xFFFF  }
0xdb: {  	_ =	strace $0x9000004A  }
0xdc: {  	s0 =	stileid.u32;
	[bflag:$0x2] =	sbarrier.arrive $0xFFFF  }
0xdd: {  	p0 =	sne.s32 s0, $0x0;
	s0 =	rddreg [dreg:$0x3]  }
0xde: {  	s0 =	sadd.s32 @!p0 $0x100000, s0  }
0xdf: {  	[sflag:s0] =	ssyncadd.tile.s32 @!p0 $0x1;
	_ =	shalt  }
.Lfunc_end2:
_tile_overlayer_lowered:
.L_overlay_start_2:
0xe0: {  	(tag) =	ssettag $0x2  }
0xe1: {  	s0 =	rddreg [dreg:$0x0];
	s2 =	stileid.u32  }
0xe2: {  	s1 =	rddreg [dreg:$0x1];
	p0 =	sne.s32 s2, $0x0  }
0xe3: {  	s3 =	rddreg [dreg:$0x2];
	[bflag:$0x3] =	sbarrier.arrive $0xFFFF;
	s2 =	simm.s32 @!p0 $0x1C03  }
0xe4: {  	[timem:s3], [sflag:s2] =	dma.local @!p0 [hbm:s0], s1  }
0xe5: {  	s0 =	simm.s32 @!p0 $0x3  }
0xe6: {  	_ =	swait.ge @!p0 [sflag:s0], s1  }
0xe7: {  	s1 =	ssub.s32 @!p0 $0x0, s1;
	[sflag:s0] =	ssyncset.done @!p0 $0x0  }
0xe8: {  	[sflag:s0] =	ssyncadd.s32 @!p0 s1  }
0xe9: {  	[bflag:$0x3] =	sbarrier.arrive $0xFFFF  }
0xea: {  	_ =	shalt  }

// kernel: kernel.13.cloned.1.call-start
scs
__scs_entry_jumppad:
0x0: {  	(pc) =	sbr.rel $0x88, $3  }
0x1: {  	(tag) =	ssettag $0x0;
	lr =	simm.s32 $0x1  }
0x2: {  	[smem:$0x3F94] =	sst lr;
	_ =	strace $0xD0000000  }
0x3: {  	_ = 	snop  }
0x4: {  	_ = 	snop  }
0x5: {  	_ = 	snop  }
0x6: {  	_ = 	snop  }
0x7: {  	_ = 	snop  }
__scs_overlays_trampoline_lowered:
0x8: {  	[smem:$0x3FA3] =	sst s0  }
0x9: {  	[smem:$0x3FA4] =	sst s1  }
0xa: {  	[smem:$0x3FA5] =	sst s2  }
0xb: {  	[smem:$0x3FA6] =	sst s3  }
0xc: {  	[smem:$0x3FA7] =	sst s4  }
0xd: {  	[smem:$0x3FA8] =	sst s5  }
0xe: {  	[smem:$0x3FA9] =	sst s6  }
0xf: {  	[smem:$0x3FAA] =	sst s7  }
0x10: {  	[smem:$0x3FAB] =	sst s8  }
0x11: {  	[smem:$0x3FAC] =	sst s9;
	s0 =	simm.s32 @!p0 $0x0  }
0x12: {  	s1 =	sld [smem:$0x3F92];
	s0 =	simm.s32 @p0 $0x1  }
0x13: {  	[smem:$0x3FAD] =	sst s0;
	s0 =	simm.s32 @!p1 $0x0  }
0x14: {  	s2 =	sld [smem:$0x3F91];
	s0 =	simm.s32 @p1 $0x1  }
0x15: {  	[smem:$0x3FAE] =	sst s0;
	s0 =	simm.s32 @!p2 $0x0  }
0x16: {  	s3 =	sld [smem:$0x3FDB];
	s0 =	simm.s32 @p2 $0x1  }
0x17: {  	s4 =	simm.s32 $0x1BF5;
	[smem:$0x3FB0] =	sst s0  }
0x18: {  	s0 =	sld [smem:$0x3F93];
	_ =	swait.ge [sflag:s4], $0x0  }
0x19: {  	s7 =	sld [smem:$0x3F94]  }
0x1a: {  	s8 =	sadd.s32 $0xFFFFE003, lr  }
0x1b: {  	s9 =	sadd.s32 $0xFFFFFEF7, lr;
	s5 =	simm.s32 $0xFFFFFFFF;
	p2 =	slt.u32 s8, $0xFFFFF086  }
0x1c: {  	p1 =	slt.u32 s9, $0xF7A;
	s5 =	simm.s32 @!p2 $0x0  }
0x1d: {  	s5 =	simm.s32 @p1 $0x1;
	p0 =	seq.s32 s7, s2  }
0x1e: {  	s7 =	smul.u32 @!p0 $0xF7A, s2;
	p2 =	seq.s32 @!p0 s5, $0x0  }
0x1f: {  	s9 =	smul.u32 $0xF7A, s1;
	s8 =	simm.s32 @!p0 $0x1BF5;
	p2 =	por !p2, p0  }
0x20: {  	[sflag:s8] =	ssyncset.s32 @!p0 $0xFFFFF086;
	s6 =	sadd.s32 @!p0 s3, s7;
	s7 =	simm.s32 @!p0 $0x108  }
0x21: {  	s3 =	sadd.s32 s3, s9;
	s6 =	sadd.s32 @!p0 $0x88, s6;
	s7 =	simm.s32 @p2 $0x1082  }
0x22: {  	[simem:s7], [sflag:s8] =	dma.local @!p0 [hbm:s6], $0xF7A  }
0x23: {  	s9 =	sor.u32 $0xD0000000, s2;
	s6 =	simm.s32 $0x108;
	_ =	swait.ge @!p0 [sflag:s8], $0x0  }
0x24: {  	s3 =	sadd.s32 $0x88, s3;
	s6 =	simm.s32 @!p1 $0x1082;
	[sflag:s4] =	ssyncset.s32 $0xFFFFF086  }
0x25: {  	[simem:s6], [sflag:s4] =	dma.local [hbm:s3], $0xF7A  }
0x26: {  	[smem:$0x3F94] =	sst s1;
	(tag) =	ssettag s2;
	_ =	strace s9  }
0x27: {  	s1 =	sld [smem:$0x3FA4]  }
0x28: {  	s2 =	sld [smem:$0x3FA5]  }
0x29: {  	s4 =	sld [smem:$0x3FA7]  }
0x2a: {  	p0 =	seq.s32 s5, $0x0;
	s5 =	sld [smem:$0x3FA8]  }
0x2b: {  	s6 =	sld [smem:$0x3FA9]  }
0x2c: {  	s7 =	sld [smem:$0x3FAA]  }
0x2d: {  	s3 =	simm.s32 $0x108;
	s8 =	sld [smem:$0x3FAB]  }
0x2e: {  	s3 =	simm.s32 @!p0 $0x1082;
	s9 =	sld [smem:$0x3FAC]  }
0x2f: {  	lr =	sadd.s32 s0, s3;
	s0 =	sld [smem:$0x3FA3]  }
0x30: {  	s3 =	sld [smem:$0x3FA6]  }
0x31: {  	[smem:$0x3FAF] =	sst s10  }
0x32: {  	s10 =	sld [smem:$0x3FAD];
	_ =	sdelay $0x3  }
0x33: {  	p0 =	seq.s32 s10, $0x1;
	s10 =	sld [smem:$0x3FAF];
	_ =	sdelay $0x3  }
0x34: {  	[smem:$0x3FAF] =	sst s10  }
0x35: {  	s10 =	sld [smem:$0x3FAE];
	_ =	sdelay $0x3  }
0x36: {  	p1 =	seq.s32 s10, $0x1;
	s10 =	sld [smem:$0x3FAF];
	_ =	sdelay $0x3  }
0x37: {  	[smem:$0x3FAF] =	sst s10  }
0x38: {  	s10 =	sld [smem:$0x3FB0]  }
0x39: {  	_ = 	snop;
	(pc) =	sbr.ind lr, $3  }
0x3a: {  	_ = 	snop  }
0x3b: {  	_ = 	snop  }
0x3c: {  	p2 =	seq.s32 s10, $0x1;
	s10 =	sld [smem:$0x3FAF]  }
0x3d: {  	_ =	shalt  }
0x3e: {  	_ =	shalt  }
0x3f: {  	_ =	shalt  }
0x40: {  	_ =	shalt  }
0x41: {  	_ =	shalt  }
0x42: {  	_ =	shalt  }
0x43: {  	_ =	shalt  }
0x44: {  	_ =	shalt  }
0x45: {  	_ =	shalt  }
0x46: {  	_ =	shalt  }
0x47: {  	_ =	shalt  }
0x48: {  	_ =	shalt  }
0x49: {  	_ =	shalt  }
0x4a: {  	_ =	shalt  }
0x4b: {  	_ =	shalt  }
0x4c: {  	_ =	shalt  }
0x4d: {  	_ =	shalt  }
0x4e: {  	_ =	shalt  }
0x4f: {  	_ =	shalt  }
0x50: {  	_ =	shalt  }
0x51: {  	_ =	shalt  }
0x52: {  	_ =	shalt  }
0x53: {  	_ =	shalt  }
0x54: {  	_ =	shalt  }
0x55: {  	_ =	shalt  }
0x56: {  	_ =	shalt  }
0x57: {  	_ =	shalt  }
0x58: {  	_ =	shalt  }
0x59: {  	_ =	shalt  }
0x5a: {  	_ =	shalt  }
0x5b: {  	_ =	shalt  }
0x5c: {  	_ =	shalt  }
0x5d: {  	_ =	shalt  }
0x5e: {  	_ =	shalt  }
0x5f: {  	_ =	shalt  }
0x60: {  	_ =	shalt  }
0x61: {  	_ =	shalt  }
0x62: {  	_ =	shalt  }
0x63: {  	_ =	shalt  }
0x64: {  	_ =	shalt  }
0x65: {  	_ =	shalt  }
0x66: {  	_ =	shalt  }
0x67: {  	_ =	shalt  }
0x68: {  	_ =	shalt  }
0x69: {  	_ =	shalt  }
0x6a: {  	_ =	shalt  }
0x6b: {  	_ =	shalt  }
0x6c: {  	_ =	shalt  }
0x6d: {  	_ =	shalt  }
0x6e: {  	_ =	shalt  }
0x6f: {  	_ =	shalt  }
0x70: {  	_ =	shalt  }
0x71: {  	_ =	shalt  }
0x72: {  	_ =	shalt  }
0x73: {  	_ =	shalt  }
0x74: {  	_ =	shalt  }
0x75: {  	_ =	shalt  }
0x76: {  	_ =	shalt  }
0x77: {  	_ =	shalt  }
0x78: {  	_ =	shalt  }
0x79: {  	_ =	shalt  }
0x7a: {  	_ =	shalt  }
0x7b: {  	_ =	shalt  }
0x7c: {  	_ =	shalt  }
0x7d: {  	_ =	shalt  }
0x7e: {  	_ =	shalt  }
0x7f: {  	_ =	shalt  }
0x80: {  	_ =	shalt  }
0x81: {  	_ =	shalt  }
0x82: {  	_ =	shalt  }
0x83: {  	_ =	shalt  }
0x84: {  	_ =	shalt  }
0x85: {  	_ =	shalt  }
0x86: {  	_ =	shalt  }
0x87: {  	_ =	shalt  }
.Lfunc_end0:
.L_simem_size_0:
called_computation.1_lowered:
.L_overlay_start_0:
0x88: {  	s2 =	sld [smem:$0x3FD9]  }
0x89: {  	s3 =	sld [smem:$0x3FFE];
	_ =	sdelay $0x1  }
0x8a: {  	s1 =	srdreg.scid  }
0x8b: {  	s0 =	sand.u32 $0x1, s1  }
0x8c: {  	s17 =	sshll.u32 s0, $0xA;
	s2 =	sadd.s32 s3, s2  }
0x8d: {  	s2 =	sadd.s32 s2, s17  }
0x8e: {  	[smem:$0x3FBB] =	sst s2  }
0x8f: {  	_ = 	snop  }
0x90: {  	s2 =	sld [smem:$0x3FD0];
	(tm) =	ssettm $0x1  }
0x91: {  	s18 =	sld [smem:$0x3FFB];
	_ =	sdelay $0x3  }
0x92: {  	_ =	strace s18  }
0x93: {  	s3 =	sld [smem:$0x3FFC];
	_ =	sdelay $0x3  }
0x94: {  	_ =	strace s3  }
0x95: {  	s3 =	sld [smem:$0x3FFD];
	_ =	sdelay $0x3  }
0x96: {  	_ =	strace s3  }
0x97: {  	_ =	strace $0x8FFFFFFF  }
0x98: {  	s19 =	sld [smem:$0x3FDB];
	_ =	sdelay $0x1  }
0x99: {  	s4 =	simm.s32 $_scs_section_size  }
0x9a: {  	s5 =	simm.s32 $_size__tile_overlayer_lowered;
	s6 =	simm.s32 $_tile_overlayer_lowered  }
0x9b: {  	s22 =	simm.s32 $0x1BFF;
	s21 =	sshll.u32 s6, $0x1;
	s3 =	sadd.s32 s4, s19  }
0x9c: {  	s7 =	simm.s32 $0x0;
	s20 =	sshll.u32 s5, $0x1;
	s5 =	sadd.s32 s21, s3  }
0x9d: {  	[timem:s7], [sflag:s22] =	dma.local [hbm:s5], s20  }
0x9e: {  	_ =	swait.ge [sflag:s22], s20  }
0x9f: {  	s4 =	ssub.s32 $0x0, s20;
	[sflag:s22] =	ssyncset.done $0x0  }
0xa0: {  	[sflag:s22] =	ssyncadd.s32 s4;
	_ =	sdelay $0x1  }
0xa1: {  	s23 =	simm.s32 $0x1B8B  }
0xa2: {  	_ =	swait.ge [sflag:s23], $0x1  }
0xa3: {  	[sflag:s23] =	ssyncset.done $0x0  }
0xa4: {  	s25 =	simm.s32 $0x1B8E;
	s24 =	sld [smem:$0x3FFE];
	[sflag:s23] =	ssyncadd.s32 $0xFFFFFFFF  }
0xa5: {  	s26 =	simm.s32 $execute0_lowered;
	[smem:$0x3FD2] =	sst s25  }
0xa6: {  	s5 =	sshll.u32 s26, $0x1;
	_ =	strace $0x80000046;
	[dreg:$0x1] =	wrdreg $0xFFFFFFFF  }
0xa7: {  	s28 =	simm.s32 $_size_execute0_lowered;
	s3 =	sadd.s32 s3, s5;
	[dreg:$0x0] =	wrdreg $0x0  }
0xa8: {  	s5 =	sshll.u32 s28, $0x1;
	[dreg:$0x2] =	wrdreg s3  }
0xa9: {  	[dreg:$0x3] =	wrdreg s5  }
0xaa: {  	[dreg:$0x4] =	wrdreg $0xC0  }
0xab: {  	_ =	task [dreg:s7], $0x5FFFF  }
0xac: {  	[dreg:$0x1] =	wrdreg $0xFFFFFFFF  }
0xad: {  	[dreg:$0x0] =	wrdreg $0x60  }
0xae: {  	[dreg:$0x2] =	wrdreg s2  }
0xaf: {  	[dreg:$0x3] =	wrdreg s24  }
0xb0: {  	[dreg:$0x4] =	wrdreg $0x0  }
0xb1: {  	[dreg:$0x5] =	wrdreg $0xA  }
0xb2: {  	_ =	task.clear_ibuf [dreg:s7], $0x6FFFF;
	_ =	strace $0x90000046  }
0xb3: {  	s29 =	simm.s32 $0xA;
	_ =	strace $0x80000048  }
0xb4: {  	_ =	swait.ge [sflag:s29], $0x1  }
0xb5: {  	[sflag:s29] =	ssyncadd.s32 $0xFFFFFFFF  }
0xb6: {  	_ =	strace $0x90000048  }
0xb7: {  	_ =	sfence  }
0xb8: {  	s30 =	sld [smem:$0x0];
	_ =	sdelay $0x2  }
0xb9: {  	s31 =	sshll.u32 s1, $0xD;
	s1 =	sshrl.u32 s1, $0x2  }
0xba: {  	s3 =	sand.u32 $0x4000, s31;
	s1 =	sadd.s32 s1, s30  }
0xbb: {  	s0 =	sor.u32 s3, s0;
	s1 =	sshll.u32 s1, $0x11  }
0xbc: {  	s0 =	sor.u32 s1, s0  }
0xbd: {  	s0 =	sadd.s32 $0x8F2B, s0  }
0xbe: {  	[sflag:s0] =	ssyncadd.remote.s32 $0x1  }
0xbf: {  	_ =	sfence.sel $0xFFFF  }
0xc0: {  	[dreg:$0x0] =	wrdreg $0xFFFFFFFF;
	(pc) =	sbr.abs _section_cstart, $3  }
0xc1: {  	[dreg:$0x1] =	wrdreg $0xFFFFFFFF  }
0xc2: {  	_ =	task.clear_ibuf [dreg:s7], $0x2FFFF;
	_ =	strace $0x9FFFFFFF  }
0xc3: {  	(tm) =	ssettm $0x7FFFFFFF  }
tec
execute0_lowered:
.L_overlay_start_1:
0x0: {  	(tag) =	ssettag $0x1  }
0x1: {  	s1 =	rddreg [dreg:$0x0]  }
0x2: {  	s0 =	srdreg.scid;
	s2 =	rddreg [dreg:$0x1]  }
0x3: {  	s13 =	stileid.u32;
	s3 =	rddreg [dreg:$0x2]  }
0x4: {  	s18 =	simm.s32 $0x3;
	s19 =	simm.s32 $0x14000;
	s20 =	simm.s32 $0x28  }
0x5: {  	s21 =	simm.s32 $0x15400;
	s28 =	simm.s32 $0x1A480;
	s29 =	simm.s32 $0x1  }
0x6: {  	s30 =	simm.s32 $0x2;
	s31 =	simm.s32 $0x0;
	s0 =	sand.u32 $0x1, s0  }
0x7: {  	s4 =	sshll.u32 s13, $0x1;
	s9 =	smul.u32 $0x2800, s13;
	s6 =	sadd.s32 $0x49FC00, s2  }
0x8: {  	s7 =	sadd.s32 $0x49AC00, s2;
	s22 =	smul.u32 $0x50000, s13;
	s14 =	sadd.s32 $0x1C00, s2  }
0x9: {  	s13 =	sshll.u32 s13, $0x6;
	s8 =	sor.u32 s0, s4;
	s11 =	smul.u32 $0x28000, s0  }
0xa: {  	s4 =	simm.s32 $0x0;
	s0 =	ssub.s32 $0x2, s0;
	s5 =	smul.u32 $0x1388, s8  }
0xb: {  	[smem:$0x7FF] =	sst s4;
	s23 =	sshrl.u32 s0, $0x1;
	s8 =	smul.u32 $0x13880, s8  }
0xc: {  	_ =	strace $0x80000047;
	s9 =	sadd.s32 s9, s11;
	[dreg:$0x4] =	wrdreg s14  }
0xd: {  	s11 =	sshrl.u32 s22, $0x2;
	s0 =	ssub.s32 s0, s23;
	s22 =	simm.s32 $0x17C00  }
0xe: {  	s23 =	simm.s32 $0x1A400;
	s10 =	sshrl.u32 s5, $0x3;
	s17 =	sadd.s32 s11, s3  }
0xf: {  	s8 =	sadd.s32 s6, s8;
	s25 =	sadd.s32 $0x28, s5;
	s16 =	smax.u32 s0, $0x1  }
0x10: {  	s12 =	sadd.s32 s10, s2;
	s2 =	sadd.s32 s9, s2;
	s9 =	sor.u32 $0x1C03, s13  }
0x11: {  	[dreg:$0x6] =	wrdreg s8;
	s26 =	sshll.u32 s25, $0x4;
	s8 =	sshrl.u32 s25, $0x3  }
0x12: {  	s17 =	sshrl.u32 s17, $0x3;
	s25 =	simm.s32 $0x16800;
	s24 =	sadd.s32 $0x495C00, s12  }
0x13: {  	s12 =	sadd.s32 s7, s10;
	s13 =	sadd.s32 s6, s26;
	s14 =	sadd.s32 s7, s8  }
0x14: {  	s15 =	sadd.s32 $0x4400, s2;
	s26 =	simm.s32 $0x19000;
	[dreg:$0x5] =	wrdreg s24  }
.LBB2_1:
0x15: {  	s0 =	rddreg [dreg:$0x4]  }
0x16: {  	[spmem:s17], [sflag:s9] =	dma.local [hbm:s0], $0x2800  }
0x17: {  	_ =	swait.ge [sflag:s18], $0x2800  }
0x18: {  	[sflag:s18] =	ssyncset.done $0x0  }
0x19: {  	s10 =	rddreg [dreg:$0x5];
	[sflag:s18] =	ssyncadd.s32 $0xFFFFD800  }
0x1a: {  	[tilespmem:s19], [sflag:$0x3] =	stream.linear.gather [hbm4b:s10+s4], $0x1388, $0x38;
	[tilespmem:$0x1A500] =	vst v63  }
0x1b: {  	_ =	swait.ge [sflag:s18], $0x1388  }
0x1c: {  	[sflag:s18] =	ssyncset.done $0x0  }
0x1d: {  	[sflag:s18] =	ssyncadd.s32 $0xFFFFEC78  }
0x1e: {  	[bflag:$0x0] =	sbarrier.arrive $0xFFFF  }
0x1f: {  	[tilespmem:s21], [sflag:$0x1] =	stream.indirect.gather [hbm4b:s1+s20], $0x80, s19, s20, $0xb8;
	[tilespmem:$0x1A500] =	vst v63  }
0x20: {  	s11 =	rddreg [dreg:$0x6]  }
0x21: {  	[tilespmem:s22], [sflag:$0x1] =	stream.linear.gather [hbm4b:s11+s4], $0x1400, $0x38;
	[tilespmem:$0x1A500] =	vst v63  }
0x22: {  	_ = 	snop  }
0x23: {  	[tilespmem:s23], [sflag:$0x1] =	stream.linear.gather [hbm4b:s12+s4], $0x28, $0x38;
	[tilespmem:$0x1A500] =	vst v63  }
0x24: {  	s24 =	simm.s32 $0x14028  }
0x25: {  	[tilespmem:s25], [sflag:$0x2] =	stream.indirect.gather [hbm4b:s1+s20], $0x80, s24, s20, $0xb8;
	[tilespmem:$0x1A500] =	vst v63  }
0x26: {  	_ = 	snop  }
0x27: {  	[tilespmem:s26], [sflag:$0x2] =	stream.linear.gather [hbm4b:s13+s4], $0x1400, $0x38;
	[tilespmem:$0x1A500] =	vst v63  }
0x28: {  	s2 =	simm.s32 $0x0  }
0x29: {  	[tilespmem:s28], [sflag:$0x2] =	stream.linear.gather [hbm4b:s14+s4], $0x28, $0x38;
	[tilespmem:$0x1A500] =	vst v63  }
.LBB2_2:
0x2a: {  	_ =	swait.ge [sflag:s29], $0x1400  }
0x2b: {  	[sflag:s29] =	ssyncset.done $0x0  }
0x2c: {  	[sflag:s29] =	ssyncadd.s32 $0xFFFFEC00  }
0x2d: {  	_ =	swait.ge [sflag:s29], $0x1400  }
0x2e: {  	[sflag:s29] =	ssyncset.done $0x0  }
0x2f: {  	[sflag:s29] =	ssyncadd.s32 $0xFFFFEC00  }
0x30: {  	_ =	swait.ge [sflag:s29], $0x28  }
0x31: {  	[sflag:s29] =	ssyncset.done $0x0  }
0x32: {  	s0 =	simm.s32 $0x0;
	[sflag:s29] =	ssyncadd.s32 $0xFFFFFFD8  }
0x33: {  	v7 =	vld [tilespmem:s0+$0x17C00]  }
0x34: {  	v11 =	vld [tilespmem:s0+$0x17C10]  }
0x35: {  	v5 =	vld [tilespmem:s0+$0x17C20]  }
0x36: {  	v4 =	vld [tilespmem:s0+$0x17C30]  }
0x37: {  	v3 =	vld [tilespmem:s0+$0x17C40]  }
0x38: {  	v2 =	vld [tilespmem:s0+$0x17C50]  }
0x39: {  	v1 =	vld [tilespmem:s0+$0x17C60]  }
0x3a: {  	v0 =	vld [tilespmem:s0+$0x17C70]  }
0x3b: {  	v12 =	vld [tilespmem:s0+$0x15400]  }
0x3c: {  	v13 =	vld [tilespmem:s0+$0x15410]  }
0x3d: {  	v10 =	vld [tilespmem:s0+$0x15420]  }
0x3e: {  	v9 =	vld [tilespmem:s0+$0x15430]  }
0x3f: {  	v8 =	vld [tilespmem:s0+$0x15440]  }
0x40: {  	v6 =	vld [tilespmem:s0+$0x15450];
	v12 =	vmul.f32 v7, v12  }
0x41: {  	s8 =	simm.s32 $0x200;
	v11 =	vmul.f32 v11, v13;
	v7 =	vld [tilespmem:s0+$0x15460]  }
.LBB2_3:
0x42: {  	s10 =	sshra.s32 s8, $0x2;
	p0 =	sne.s32 s8, $0x4E00;
	[tilespmem:s0+$0x15400] =	vst v12;
	v5 =	vmul.f32 v5, v10;
	v10 =	vld [tilespmem:s0+$0x15470]  }
0x43: {  	v12 =	vld [tilespmem:s10+$0x17C00];
	[tilespmem:s0+$0x15410] =	vst v11;
	v4 =	vmul.f32 v4, v9  }
0x44: {  	v11 =	vld [tilespmem:s10+$0x17C10];
	[tilespmem:s0+$0x15420] =	vst v5;
	v3 =	vmul.f32 v3, v8  }
0x45: {  	v5 =	vld [tilespmem:s10+$0x17C20];
	[tilespmem:s0+$0x15430] =	vst v4;
	v2 =	vmul.f32 v2, v6  }
0x46: {  	v4 =	vld [tilespmem:s10+$0x17C30];
	[tilespmem:s0+$0x15440] =	vst v3;
	v1 =	vmul.f32 v1, v7  }
0x47: {  	v3 =	vld [tilespmem:s10+$0x17C40];
	[tilespmem:s0+$0x15450] =	vst v2;
	v0 =	vmul.f32 v0, v10  }
0x48: {  	v2 =	vld [tilespmem:s10+$0x17C50];
	[tilespmem:s0+$0x15460] =	vst v1  }
0x49: {  	v1 =	vld [tilespmem:s10+$0x17C60];
	[tilespmem:s0+$0x15470] =	vst v0;
	s0 =	smov.u32 s10  }
0x4a: {  	v0 =	vld [tilespmem:s0+$0x17C70]  }
0x4b: {  	v6 =	vld [tilespmem:s0+$0x15400]  }
0x4c: {  	v7 =	vld [tilespmem:s0+$0x15410]  }
.Ltmp0:
0x4d: {  	v10 =	vld [tilespmem:s0+$0x15420];
	(pc) =	sbr.rel @p0 .LBB2_3-.Ltmp0, $4  }
0x4e: {  	v9 =	vld [tilespmem:s0+$0x15430]  }
0x4f: {  	v8 =	vld [tilespmem:s0+$0x15440]  }
0x50: {  	v12 =	vmul.f32 v12, v6;
	v6 =	vld [tilespmem:s0+$0x15450]  }
0x51: {  	s8 =	sadd.s32 $0x200, s8;
	v11 =	vmul.f32 v11, v7;
	v7 =	vld [tilespmem:s0+$0x15460]  }
0x52: {  	[tilespmem:s0+$0x15400] =	vst v12;
	v5 =	vmul.f32 v5, v10;
	v10 =	vld [tilespmem:s0+$0x15470]  }
0x53: {  	[tilespmem:s0+$0x15410] =	vst v11;
	v4 =	vmul.f32 v4, v9  }
0x54: {  	[tilespmem:s0+$0x15420] =	vst v5;
	v3 =	vmul.f32 v3, v8  }
0x55: {  	[tilespmem:s0+$0x15430] =	vst v4;
	v2 =	vmul.f32 v2, v6  }
0x56: {  	[tilespmem:s0+$0x15440] =	vst v3;
	v1 =	vmul.f32 v1, v7  }
0x57: {  	[tilespmem:s0+$0x15450] =	vst v2;
	v0 =	vmul.f32 v0, v10  }
0x58: {  	[tilespmem:s0+$0x15460] =	vst v1  }
0x59: {  	[tilespmem:s0+$0x15470] =	vst v0  }
0x5a: {  	[spmem:s3] =	stream.indirect.scatter.add.f32 [tilespmem:s21], [sflag:$0x3], $0x80, s23, s20, $0xb8;
	[tilespmem:$0x1A500] =	vst v63  }
0x5b: {  	s0 =	smul.u32 $0x50, s2;
	_ =	swait.ge [sflag:s18], $0x1400  }
0x5c: {  	[sflag:s18] =	ssyncset.done $0x0  }
0x5d: {  	s24 =	sadd.s32 s5, s0;
	s8 =	sadd.s32 $0x14050, s0;
	[sflag:s18] =	ssyncadd.s32 $0xFFFFEC00  }
0x5e: {  	[tilespmem:s21], [sflag:$0x1] =	stream.indirect.gather [hbm4b:s1+s20], $0x80, s8, s20, $0xb8;
	[tilespmem:$0x1A500] =	vst v63  }
0x5f: {  	s8 =	sadd.s32 $0x50, s24  }
0x60: {  	s10 =	sshll.u32 s8, $0x4  }
0x61: {  	s11 =	simm.s32 $0x0;
	s8 =	sshrl.u32 s8, $0x3;
	s10 =	sadd.s32 s6, s10  }
0x62: {  	[tilespmem:s22], [sflag:$0x1] =	stream.linear.gather [hbm4b:s10+s11], $0x1400, $0x38;
	[tilespmem:$0x1A500] =	vst v63  }
0x63: {  	s8 =	sadd.s32 s7, s8  }
0x64: {  	[tilespmem:s23], [sflag:$0x1] =	stream.linear.gather [hbm4b:s8+s11], $0x28, $0x38;
	[tilespmem:$0x1A500] =	vst v63  }
0x65: {  	_ =	swait.ge [sflag:s30], $0x1400  }
0x66: {  	[sflag:s30] =	ssyncset.done $0x0  }
0x67: {  	[sflag:s30] =	ssyncadd.s32 $0xFFFFEC00  }
0x68: {  	_ =	swait.ge [sflag:s30], $0x1400  }
0x69: {  	[sflag:s30] =	ssyncset.done $0x0  }
0x6a: {  	[sflag:s30] =	ssyncadd.s32 $0xFFFFEC00  }
0x6b: {  	_ =	swait.ge [sflag:s30], $0x28  }
0x6c: {  	[sflag:s30] =	ssyncset.done $0x0  }
0x6d: {  	s8 =	simm.s32 $0x0;
	[sflag:s30] =	ssyncadd.s32 $0xFFFFFFD8  }
0x6e: {  	v7 =	vld [tilespmem:s8+$0x19000]  }
0x6f: {  	v11 =	vld [tilespmem:s8+$0x19010]  }
0x70: {  	v5 =	vld [tilespmem:s8+$0x19020]  }
0x71: {  	v4 =	vld [tilespmem:s8+$0x19030]  }
0x72: {  	v3 =	vld [tilespmem:s8+$0x19040]  }
0x73: {  	v2 =	vld [tilespmem:s8+$0x19050]  }
0x74: {  	v1 =	vld [tilespmem:s8+$0x19060]  }
0x75: {  	v0 =	vld [tilespmem:s8+$0x19070]  }
0x76: {  	v12 =	vld [tilespmem:s8+$0x16800]  }
0x77: {  	v13 =	vld [tilespmem:s8+$0x16810]  }
0x78: {  	v10 =	vld [tilespmem:s8+$0x16820]  }
0x79: {  	v9 =	vld [tilespmem:s8+$0x16830]  }
0x7a: {  	v8 =	vld [tilespmem:s8+$0x16840]  }
0x7b: {  	v6 =	vld [tilespmem:s8+$0x16850];
	v12 =	vmul.f32 v7, v12  }
0x7c: {  	s10 =	simm.s32 $0x200;
	v11 =	vmul.f32 v11, v13;
	v7 =	vld [tilespmem:s8+$0x16860]  }
.LBB2_5:
0x7d: {  	s11 =	sshra.s32 s10, $0x2;
	p0 =	sne.s32 s10, $0x4E00;
	[tilespmem:s8+$0x16800] =	vst v12;
	v5 =	vmul.f32 v5, v10;
	v10 =	vld [tilespmem:s8+$0x16870]  }
0x7e: {  	v12 =	vld [tilespmem:s11+$0x19000];
	[tilespmem:s8+$0x16810] =	vst v11;
	v4 =	vmul.f32 v4, v9  }
0x7f: {  	v11 =	vld [tilespmem:s11+$0x19010];
	[tilespmem:s8+$0x16820] =	vst v5;
	v3 =	vmul.f32 v3, v8  }
0x80: {  	v5 =	vld [tilespmem:s11+$0x19020];
	[tilespmem:s8+$0x16830] =	vst v4;
	v2 =	vmul.f32 v2, v6  }
0x81: {  	v4 =	vld [tilespmem:s11+$0x19030];
	[tilespmem:s8+$0x16840] =	vst v3;
	v1 =	vmul.f32 v1, v7  }
0x82: {  	v3 =	vld [tilespmem:s11+$0x19040];
	[tilespmem:s8+$0x16850] =	vst v2;
	v0 =	vmul.f32 v0, v10  }
0x83: {  	v2 =	vld [tilespmem:s11+$0x19050];
	[tilespmem:s8+$0x16860] =	vst v1  }
0x84: {  	v1 =	vld [tilespmem:s11+$0x19060];
	[tilespmem:s8+$0x16870] =	vst v0;
	s8 =	smov.u32 s11  }
0x85: {  	v0 =	vld [tilespmem:s8+$0x19070]  }
0x86: {  	v6 =	vld [tilespmem:s8+$0x16800]  }
0x87: {  	v7 =	vld [tilespmem:s8+$0x16810]  }
.Ltmp1:
0x88: {  	v10 =	vld [tilespmem:s8+$0x16820];
	(pc) =	sbr.rel @p0 .LBB2_5-.Ltmp1, $4  }
0x89: {  	v9 =	vld [tilespmem:s8+$0x16830]  }
0x8a: {  	v8 =	vld [tilespmem:s8+$0x16840]  }
0x8b: {  	v12 =	vmul.f32 v12, v6;
	v6 =	vld [tilespmem:s8+$0x16850]  }
0x8c: {  	s10 =	sadd.s32 $0x200, s10;
	v11 =	vmul.f32 v11, v7;
	v7 =	vld [tilespmem:s8+$0x16860]  }
0x8d: {  	[tilespmem:s8+$0x16800] =	vst v12;
	v5 =	vmul.f32 v5, v10;
	v63 =	vld [tilespmem:s8+$0x16870]  }
0x8e: {  	[tilespmem:s8+$0x16810] =	vst v11;
	v4 =	vmul.f32 v4, v9  }
0x8f: {  	[tilespmem:s8+$0x16820] =	vst v5;
	v3 =	vmul.f32 v3, v8  }
0x90: {  	[tilespmem:s8+$0x16830] =	vst v4;
	v2 =	vmul.f32 v2, v6  }
0x91: {  	[tilespmem:s8+$0x16840] =	vst v3;
	v1 =	vmul.f32 v1, v7  }
0x92: {  	[tilespmem:s8+$0x16850] =	vst v2;
	v0 =	vmul.f32 v0, v63  }
0x93: {  	p0 =	seq.s32 s2, $0x3D;
	[tilespmem:s8+$0x16860] =	vst v1  }
.Ltmp2:
0x94: {  	[tilespmem:s8+$0x16870] =	vst v0;
	(pc) =	sbr.rel @p0 .LBB2_8-.Ltmp2, $4  }
0x95: {  	[spmem:s3] =	stream.indirect.scatter.add.f32 [tilespmem:s25], [sflag:$0x3], $0x80, s28, s20, $0xb8;
	[tilespmem:$0x1A500] =	vst v63  }
0x96: {  	_ =	swait.ge [sflag:s18], $0x1400  }
0x97: {  	[sflag:s18] =	ssyncset.done $0x0  }
0x98: {  	[sflag:s18] =	ssyncadd.s32 $0xFFFFEC00  }
0x99: {  	s0 =	sadd.s32 $0x14078, s0;
	s24 =	sadd.s32 $0x78, s24  }
0x9a: {  	[tilespmem:s25], [sflag:$0x2] =	stream.indirect.gather [hbm4b:s1+s20], $0x80, s0, s20, $0xb8;
	[tilespmem:$0x1A500] =	vst v63  }
.Ltmp3:
0x9b: {  	s8 =	sshll.u32 s24, $0x4;
	(pc) =	sbr.rel .LBB2_2-.Ltmp3, $4  }
0x9c: {  	s0 =	sshrl.u32 s24, $0x3;
	s8 =	sadd.s32 s6, s8  }
0x9d: {  	[tilespmem:s26], [sflag:$0x2] =	stream.linear.gather [hbm4b:s8+s4], $0x1400, $0x38;
	[tilespmem:$0x1A500] =	vst v63  }
0x9e: {  	s2 =	sadd.s32 $0x1, s2;
	s0 =	sadd.s32 s7, s0  }
0x9f: {  	[tilespmem:s28], [sflag:$0x2] =	stream.linear.gather [hbm4b:s0+s4], $0x28, $0x38;
	[tilespmem:$0x1A500] =	vst v63  }
.LBB2_8:
0xa0: {  	_ =	swait.ge [sflag:s29], $0x1400  }
0xa1: {  	[sflag:s29] =	ssyncset.done $0x0  }
0xa2: {  	[sflag:s29] =	ssyncadd.s32 $0xFFFFEC00  }
0xa3: {  	_ =	swait.ge [sflag:s29], $0x1400  }
0xa4: {  	[sflag:s29] =	ssyncset.done $0x0  }
0xa5: {  	[sflag:s29] =	ssyncadd.s32 $0xFFFFEC00  }
0xa6: {  	_ =	swait.ge [sflag:s29], $0x28  }
0xa7: {  	[sflag:s29] =	ssyncset.done $0x0  }
0xa8: {  	s0 =	simm.s32 $0x0;
	[sflag:s29] =	ssyncadd.s32 $0xFFFFFFD8  }
0xa9: {  	v7 =	vld [tilespmem:s0+$0x17C00]  }
0xaa: {  	v11 =	vld [tilespmem:s0+$0x17C10]  }
0xab: {  	v5 =	vld [tilespmem:s0+$0x17C20]  }
0xac: {  	v4 =	vld [tilespmem:s0+$0x17C30]  }
0xad: {  	v3 =	vld [tilespmem:s0+$0x17C40]  }
0xae: {  	v2 =	vld [tilespmem:s0+$0x17C50]  }
0xaf: {  	v1 =	vld [tilespmem:s0+$0x17C60]  }
0xb0: {  	v0 =	vld [tilespmem:s0+$0x17C70]  }
0xb1: {  	v12 =	vld [tilespmem:s0+$0x15400]  }
0xb2: {  	v13 =	vld [tilespmem:s0+$0x15410]  }
0xb3: {  	v10 =	vld [tilespmem:s0+$0x15420]  }
0xb4: {  	v9 =	vld [tilespmem:s0+$0x15430]  }
0xb5: {  	v8 =	vld [tilespmem:s0+$0x15440]  }
0xb6: {  	v6 =	vld [tilespmem:s0+$0x15450];
	v12 =	vmul.f32 v7, v12  }
0xb7: {  	s2 =	simm.s32 $0x200;
	v11 =	vmul.f32 v11, v13;
	v7 =	vld [tilespmem:s0+$0x15460]  }
.LBB2_9:
0xb8: {  	s8 =	sshra.s32 s2, $0x2;
	p0 =	sne.s32 s2, $0x4E00;
	[tilespmem:s0+$0x15400] =	vst v12;
	v5 =	vmul.f32 v5, v10;
	v10 =	vld [tilespmem:s0+$0x15470]  }
0xb9: {  	v12 =	vld [tilespmem:s8+$0x17C00];
	[tilespmem:s0+$0x15410] =	vst v11;
	v4 =	vmul.f32 v4, v9  }
0xba: {  	v11 =	vld [tilespmem:s8+$0x17C10];
	[tilespmem:s0+$0x15420] =	vst v5;
	v3 =	vmul.f32 v3, v8  }
0xbb: {  	v5 =	vld [tilespmem:s8+$0x17C20];
	[tilespmem:s0+$0x15430] =	vst v4;
	v2 =	vmul.f32 v2, v6  }
0xbc: {  	v4 =	vld [tilespmem:s8+$0x17C30];
	[tilespmem:s0+$0x15440] =	vst v3;
	v1 =	vmul.f32 v1, v7  }
0xbd: {  	v3 =	vld [tilespmem:s8+$0x17C40];
	[tilespmem:s0+$0x15450] =	vst v2;
	v0 =	vmul.f32 v0, v10  }
0xbe: {  	v2 =	vld [tilespmem:s8+$0x17C50];
	[tilespmem:s0+$0x15460] =	vst v1  }
0xbf: {  	v1 =	vld [tilespmem:s8+$0x17C60];
	[tilespmem:s0+$0x15470] =	vst v0;
	s0 =	smov.u32 s8  }
0xc0: {  	v0 =	vld [tilespmem:s0+$0x17C70]  }
0xc1: {  	v6 =	vld [tilespmem:s0+$0x15400]  }
0xc2: {  	v7 =	vld [tilespmem:s0+$0x15410]  }
.Ltmp4:
0xc3: {  	v10 =	vld [tilespmem:s0+$0x15420];
	(pc) =	sbr.rel @p0 .LBB2_9-.Ltmp4, $4  }
0xc4: {  	v9 =	vld [tilespmem:s0+$0x15430]  }
0xc5: {  	v8 =	vld [tilespmem:s0+$0x15440]  }
0xc6: {  	v12 =	vmul.f32 v12, v6;
	v6 =	vld [tilespmem:s0+$0x15450]  }
0xc7: {  	s2 =	sadd.s32 $0x200, s2;
	v11 =	vmul.f32 v11, v7;
	v7 =	vld [tilespmem:s0+$0x15460]  }
0xc8: {  	[tilespmem:s0+$0x15400] =	vst v12;
	v5 =	vmul.f32 v5, v10;
	v63 =	vld [tilespmem:s0+$0x15470]  }
0xc9: {  	[tilespmem:s0+$0x15410] =	vst v11;
	v4 =	vmul.f32 v4, v9  }
0xca: {  	[tilespmem:s0+$0x15420] =	vst v5;
	v3 =	vmul.f32 v3, v8  }
0xcb: {  	[tilespmem:s0+$0x15430] =	vst v4;
	v2 =	vmul.f32 v2, v6  }
0xcc: {  	[tilespmem:s0+$0x15440] =	vst v3;
	v1 =	vmul.f32 v1, v7  }
0xcd: {  	[tilespmem:s0+$0x15450] =	vst v2;
	v0 =	vmul.f32 v0, v63  }
0xce: {  	[tilespmem:s0+$0x15460] =	vst v1  }
0xcf: {  	[tilespmem:s0+$0x15470] =	vst v0  }
0xd0: {  	[spmem:s3] =	stream.indirect.scatter.add.f32 [tilespmem:s21], [sflag:$0x3], $0x80, s23, s20, $0xb8;
	[tilespmem:$0x1A500] =	vst v63  }
0xd1: {  	_ =	swait.ge [sflag:s18], $0x1400  }
0xd2: {  	s31 =	sadd.s32 $0x1, s31;
	[sflag:s18] =	ssyncset.done $0x0  }
0xd3: {  	p0 =	sne.s32 s31, s16;
	[sflag:s18] =	ssyncadd.s32 $0xFFFFEC00  }
.Ltmp5:
0xd4: {  	[bflag:$0x0] =	sbarrier.arrive $0xFFFF;
	(pc) =	sbr.rel @p0 .LBB2_1-.Ltmp5, $4  }
0xd5: {  	[hbm:s15], [sflag:s9] =	dma.local [spmem:s17], $0x2800  }
0xd6: {  	_ =	swait.ge [sflag:s18], $0x2800  }
0xd7: {  	[sflag:s18] =	ssyncset.done $0x0  }
0xd8: {  	[sflag:s18] =	ssyncadd.s32 $0xFFFFD800  }
0xd9: {  	_ =	sfence.sel $0x180000  }
0xda: {  	[bflag:$0x0] =	sbarrier.arrive $0xFFFF  }
0xdb: {  	_ =	strace $0x90000047  }
0xdc: {  	s0 =	stileid.u32;
	[bflag:$0x2] =	sbarrier.arrive $0xFFFF  }
0xdd: {  	p0 =	sne.s32 s0, $0x0;
	s0 =	rddreg [dreg:$0x3]  }
0xde: {  	s0 =	sadd.s32 @!p0 $0x100000, s0  }
0xdf: {  	[sflag:s0] =	ssyncadd.tile.s32 @!p0 $0x1;
	_ =	shalt  }
.Lfunc_end2:
_tile_overlayer_lowered:
.L_overlay_start_2:
0xe0: {  	(tag) =	ssettag $0x2  }
0xe1: {  	s0 =	rddreg [dreg:$0x0];
	s2 =	stileid.u32  }
0xe2: {  	s1 =	rddreg [dreg:$0x1];
	p0 =	sne.s32 s2, $0x0  }
0xe3: {  	s3 =	rddreg [dreg:$0x2];
	[bflag:$0x3] =	sbarrier.arrive $0xFFFF;
	s2 =	simm.s32 @!p0 $0x1C03  }
0xe4: {  	[timem:s3], [sflag:s2] =	dma.local @!p0 [hbm:s0], s1  }
0xe5: {  	s0 =	simm.s32 @!p0 $0x3  }
0xe6: {  	_ =	swait.ge @!p0 [sflag:s0], s1  }
0xe7: {  	s1 =	ssub.s32 @!p0 $0x0, s1;
	[sflag:s0] =	ssyncset.done @!p0 $0x0  }
0xe8: {  	[sflag:s0] =	ssyncadd.s32 @!p0 s1  }
0xe9: {  	[bflag:$0x3] =	sbarrier.arrive $0xFFFF  }
0xea: {  	_ =	shalt  }

</sc_bundles>
